<compile_context>
chip_gen: v7x
topology: tpu7x:2x2x1
jax: 0.10.2.dev20260603
libtpu: 0.0.44.dev20260713+nightly
codegen_flags: <defaults>
</compile_context>

<pallas_src>
import functools

import jax
import jax.numpy as jnp
from jax import lax
from jax.experimental import pallas as pl
from jax.experimental.pallas import tpu as pltpu
from jax.experimental.pallas import tpu_sc as plsc

N_NODES = 10000
N_EDGES = 320000
D_FEAT = 128
D_EDGE = 16

NC = 2
NS = 16
NW = NC * NS
EPT = N_EDGES // NW
CH = 80
NCHUNK = EPT // CH
ACC_ROWS = 10240
RPT = ACC_ROWS // NS


def _sc_pass(gather: bool):
    mesh = plsc.VectorSubcoreMesh(core_axis_name="c", subcore_axis_name="s",
                                  num_cores=NC, num_subcores=NS)

    @functools.partial(
        pl.kernel,
        out_type=jax.ShapeDtypeStruct((NC, ACC_ROWS, D_FEAT), jnp.float32),
        mesh=mesh,
        scratch_types=(
            [pltpu.VMEM_SHARED((ACC_ROWS, D_FEAT), jnp.float32)]
            + [pltpu.VMEM((CH,), jnp.int32)] * 8
            + [pltpu.VMEM((CH, D_FEAT), jnp.float32)] * 4
            + [pltpu.SemaphoreType.DMA] * 8
        ),
    )
    def seg_sum(data_h, recv_h, send_h, init_h, apart_h,
                acc, sidx0, sidx1, sidx2, sidx3, ridx0, ridx1, ridx2, ridx3,
                rows0, rows1, rows2, rows3,
                si0, si1, si2, si3, sg0, sg1, sg2, sg3):
        c = lax.axis_index("c")
        s = lax.axis_index("s")
        wid = c * NS + s
        base = wid * EPT
        rslice = pl.ds(s * RPT, RPT)
        sidx = (sidx0, sidx1, sidx2, sidx3)
        ridx = (ridx0, ridx1, ridx2, ridx3)
        rows = (rows0, rows1, rows2, rows3)
        si = (si0, si1, si2, si3)
        sg = (sg0, sg1, sg2, sg3)

        if gather:
            pltpu.sync_copy(init_h.at[rslice], acc.at[rslice])
        else:
            pltpu.sync_copy(init_h.at[c, rslice], acc.at[rslice])
        plsc.subcore_barrier()

        def idxi(i, b):
            @pl.when(i < NCHUNK)
            def _():
                eb = base + i * CH
                if gather:
                    pltpu.async_copy(send_h.at[pl.ds(eb, CH)], sidx[b], si[b])
                pltpu.async_copy(recv_h.at[pl.ds(eb, CH)], ridx[b], si[b])

        def idxw(b):
            if gather:
                pltpu.make_async_copy(send_h.at[pl.ds(0, CH)], sidx[b],
                                      si[b]).wait()
            pltpu.make_async_copy(recv_h.at[pl.ds(0, CH)], ridx[b],
                                  si[b]).wait()

        def datai(i, b):
            if gather:
                pltpu.async_copy(data_h.at[sidx[b]], rows[b], sg[b])
            else:
                pltpu.async_copy(data_h.at[pl.ds(base + i * CH, CH)],
                                 rows[b], sg[b])

        def dataw(b):
            pltpu.make_async_copy(data_h.at[pl.ds(0, CH)], rows[b],
                                  sg[b]).wait()

        def scat(b):
            pltpu.sync_copy(rows[b], acc.at[ridx[b]], add=True)

        idxi(0, 0)
        idxw(0)
        datai(0, 0)
        idxi(1, 1)
        idxw(1)
        datai(1, 1)
        idxi(2, 2)
        idxw(2)
        datai(2, 2)
        idxi(3, 3)

        def step(i, p):
            n = (p + 3) % 4
            idxw(n)
            datai(i + 3, n)
            dataw(p)
            scat(p)
            idxi(i + 4, p)

        def quad(j, carry):
            step(4 * j, 0)
            step(4 * j + 1, 1)
            step(4 * j + 2, 2)
            step(4 * j + 3, 3)
            return carry

        lax.fori_loop(0, 30, quad, 0)
        for i in range(120, NCHUNK):
            p = i % 4
            if i + 3 < NCHUNK:
                n = (p + 3) % 4
                idxw(n)
                datai(i + 3, n)
            dataw(p)
            scat(p)
            if i + 4 < NCHUNK:
                idxi(i + 4, p)
        plsc.subcore_barrier()

        pltpu.sync_copy(acc.at[rslice], apart_h.at[c, rslice])

    return seg_sum


_SEG_GATHER = _sc_pass(gather=True)
_SEG_LINEAR = _sc_pass(gather=False)

BLK = 1000
EBLK = 2000


def _row_block(i):
    return (i, 0)


def _whole(i):
    return (0, 0)


def _mm_body(x_ref, w_ref, o_ref):
    o_ref[...] = jnp.dot(x_ref[...], w_ref[...])


_P_CALL = pl.pallas_call(
    _mm_body,
    grid=(N_NODES // BLK,),
    in_specs=[pl.BlockSpec((BLK, D_FEAT), _row_block),
              pl.BlockSpec((D_FEAT, 128), _whole)],
    out_specs=pl.BlockSpec((BLK, 128), _row_block),
    out_shape=jax.ShapeDtypeStruct((N_NODES, 128), jnp.float32),
)

_M2_CALL = pl.pallas_call(
    _mm_body,
    grid=(N_EDGES // EBLK,),
    in_specs=[pl.BlockSpec((EBLK, D_EDGE), _row_block),
              pl.BlockSpec((D_EDGE, 128), _whole)],
    out_specs=pl.BlockSpec((EBLK, 128), _row_block),
    out_shape=jax.ShapeDtypeStruct((N_EDGES, 128), jnp.float32),
)


def _tc_tail(x_ref, a0_ref, a1_ref,
             w1a_ref, w1b_ref, b1_ref,
             w2_ref, b2_ref, wn_ref, lns_ref, lnb_ref, o_ref):
    x = x_ref[...]
    agg = a0_ref[0] + a1_ref[0]
    h = jnp.maximum(jnp.dot(x, w1a_ref[...]) + jnp.dot(agg, w1b_ref[...])
                    + b1_ref[...], 0.0)
    y = jnp.dot(x, wn_ref[...]) + jnp.dot(h, w2_ref[...]) + b2_ref[...]
    mu = jnp.mean(y, axis=1, keepdims=True)
    var = jnp.mean(jnp.square(y - mu), axis=1, keepdims=True)
    o_ref[...] = (y - mu) * lax.rsqrt(var + 1e-6) * lns_ref[...] + lnb_ref[...]


_TAIL_CALL = pl.pallas_call(
    _tc_tail,
    grid=(N_NODES // BLK,),
    in_specs=[
        pl.BlockSpec((BLK, D_FEAT), _row_block),
        pl.BlockSpec((1, BLK, 128), lambda i: (0, i, 0)),
        pl.BlockSpec((1, BLK, 128), lambda i: (1, i, 0)),
        pl.BlockSpec((D_FEAT, 128), _whole),
        pl.BlockSpec((128, 128), _whole),
        pl.BlockSpec((1, 128), _whole),
        pl.BlockSpec((128, 128), _whole),
        pl.BlockSpec((1, 128), _whole),
        pl.BlockSpec((D_FEAT, 128), _whole),
        pl.BlockSpec((1, 128), _whole),
        pl.BlockSpec((1, 128), _whole),
    ],
    out_specs=pl.BlockSpec((BLK, 128), _row_block),
    out_shape=jax.ShapeDtypeStruct((N_NODES, 128), jnp.float32),
)


@jax.jit
def kernel(nodes, edges, receivers, senders, W_message, W_node,
           mlp_W1, mlp_b1, mlp_W2, mlp_b2, ln_scale, ln_bias):
    recv = receivers.astype(jnp.int32)
    send = senders.astype(jnp.int32)
    zn = jnp.zeros((ACC_ROWS, D_FEAT), jnp.float32)

    p = _P_CALL(nodes, W_message[:D_FEAT])
    m2 = _M2_CALL(edges, W_message[D_FEAT:])
    a1 = _SEG_GATHER(p, recv, send, zn)
    apart = _SEG_LINEAR(m2, recv, send, a1)

    out = _TAIL_CALL(
        nodes, apart, apart,
        mlp_W1[:D_FEAT], mlp_W1[D_FEAT:], mlp_b1.reshape(1, 128),
        mlp_W2, mlp_b2.reshape(1, 128), W_node,
        ln_scale.reshape(1, 128), ln_bias.reshape(1, 128),
    )
    return out

# --- scband reference (transcript-rebuilt; emitter-appended) ---
"""Pipeline reference for scband-linear-message-passing-layer-62749472195030 (READ-ONLY COPY).

The authoritative reference and input builder live on the scoring server;
editing this copy changes nothing except your own understanding.
"""

import jax, jax.numpy as jnp
import numpy as np

N_NODES = 10000
N_EDGES = 320000
D_FEAT = 128
D_EDGE = 16

def _glorot(key, shape):
    fan_in, fan_out = shape[0], shape[1]
    std = jnp.sqrt(2.0 / (fan_in + fan_out))
    return jax.random.normal(key, shape, dtype=jnp.float32) * std

def setup_inputs(seed: int = 0) -> dict:
    key = jax.random.key(seed)
    ks = jax.random.split(key, 12)
    nodes = jax.random.normal(ks[0], (N_NODES, D_FEAT), dtype=jnp.float32)
    edges = jax.random.normal(ks[1], (N_EDGES, D_EDGE), dtype=jnp.float32)
    receivers = jnp.sort(jax.random.randint(ks[2], (N_EDGES,), 0, N_NODES, dtype=jnp.int32)).astype(jnp.int64)
    senders = jax.random.randint(ks[3], (N_EDGES,), 0, N_NODES, dtype=jnp.int32).astype(jnp.int64)
    # W_message: Dense(128) on concat([sender_feat(128), edge(16)]) -> in 144, no bias
    W_message = _glorot(ks[4], (D_FEAT + D_EDGE, 128))
    # W_node: Dense(128) on nodes(128), no bias
    W_node = _glorot(ks[5], (D_FEAT, 128))
    # NodeMLP: ReluMLP([128, 128]) on concat([nodes(128), agg(128)]) -> in 256
    mlp_W1 = _glorot(ks[6], (D_FEAT + 128, 128))
    mlp_b1 = jnp.zeros((128,), dtype=jnp.float32)
    mlp_W2 = _glorot(ks[7], (128, 128))
    mlp_b2 = jnp.zeros((128,), dtype=jnp.float32)
    ln_scale = jnp.ones((128,), dtype=jnp.float32)
    ln_bias = jnp.zeros((128,), dtype=jnp.float32)
    return {
        'nodes': nodes, 'edges': edges, 'receivers': receivers, 'senders': senders,
        'W_message': W_message, 'W_node': W_node,
        'mlp_W1': mlp_W1, 'mlp_b1': mlp_b1, 'mlp_W2': mlp_W2, 'mlp_b2': mlp_b2,
        'ln_scale': ln_scale, 'ln_bias': ln_bias,
    }

def _layer_norm(x, scale, bias, eps=1e-6):
    mean = jnp.mean(x, axis=-1, keepdims=True)
    var = jnp.mean(jnp.square(x - mean), axis=-1, keepdims=True)
    return (x - mean) * jax.lax.rsqrt(var + eps) * scale + bias

def reference(nodes, edges, receivers, senders, W_message, W_node,
              mlp_W1, mlp_b1, mlp_W2, mlp_b2, ln_scale, ln_bias):
    total_nodes = nodes.shape[0]
    # message phase: gather sender features, concat edge attrs, linear
    sender_features = nodes[senders]
    messageMLP_input = jnp.concatenate([sender_features, edges], axis=-1)
    messages_out = messageMLP_input @ W_message
    # aggregate: scatter-add by receiver (segment_sum)
    aggregated_messages = jax.ops.segment_sum(data=messages_out, segment_ids=receivers,
                                              num_segments=total_nodes)
    # node update: ReluMLP on concat([nodes, aggregated])
    nodeMLP_input = jnp.concatenate([nodes, aggregated_messages], axis=-1)
    h = jax.nn.relu(nodeMLP_input @ mlp_W1 + mlp_b1)
    nodes_out = h @ mlp_W2 + mlp_b2
    # residual-style skip via W_node + LayerNorm
    nodes_new = _layer_norm(nodes @ W_node + nodes_out, ln_scale, ln_bias)
    return nodes_new

if __name__ == "__main__":
    import jax
    _d = setup_inputs()
    print(jax.jit(kernel)(*tuple(_d.values())))

</pallas_src>

<mosaic_0001>
#map = affine_map<(d0, d1) -> (0, 0)>
#map1 = affine_map<(d0, d1) -> (0)>
#map2 = affine_map<(d0, d1) -> (0, 0, 0)>
module attributes {stable_mosaic.version = 14 : i64} {
  func.func @seg_sum(%arg0: i32, %arg1: i32, %arg2: memref<10000x128xf32, #tpu.memory_space<hbm>>, %arg3: memref<320000xi32, #tpu.memory_space<hbm>>, %arg4: memref<320000xi32, #tpu.memory_space<hbm>>, %arg5: memref<10240x128xf32, #tpu.memory_space<hbm>>, %arg6: memref<2x10240x128xf32, #tpu.memory_space<hbm>>, %arg7: memref<10240x128xf32, #tpu.memory_space<vmem_shared>>, %arg8: memref<80xi32, #tpu.memory_space<vmem>>, %arg9: memref<80xi32, #tpu.memory_space<vmem>>, %arg10: memref<80xi32, #tpu.memory_space<vmem>>, %arg11: memref<80xi32, #tpu.memory_space<vmem>>, %arg12: memref<80xi32, #tpu.memory_space<vmem>>, %arg13: memref<80xi32, #tpu.memory_space<vmem>>, %arg14: memref<80xi32, #tpu.memory_space<vmem>>, %arg15: memref<80xi32, #tpu.memory_space<vmem>>, %arg16: memref<80x128xf32, #tpu.memory_space<vmem>>, %arg17: memref<80x128xf32, #tpu.memory_space<vmem>>, %arg18: memref<80x128xf32, #tpu.memory_space<vmem>>, %arg19: memref<80x128xf32, #tpu.memory_space<vmem>>, %arg20: memref<!tpu.dma_semaphore, #tpu.memory_space<semaphore_mem>>, %arg21: memref<!tpu.dma_semaphore, #tpu.memory_space<semaphore_mem>>, %arg22: memref<!tpu.dma_semaphore, #tpu.memory_space<semaphore_mem>>, %arg23: memref<!tpu.dma_semaphore, #tpu.memory_space<semaphore_mem>>, %arg24: memref<!tpu.dma_semaphore, #tpu.memory_space<semaphore_mem>>, %arg25: memref<!tpu.dma_semaphore, #tpu.memory_space<semaphore_mem>>, %arg26: memref<!tpu.dma_semaphore, #tpu.memory_space<semaphore_mem>>, %arg27: memref<!tpu.dma_semaphore, #tpu.memory_space<semaphore_mem>>) attributes {dimension_semantics = [#tpu.dimension_semantics<core_parallel>, #tpu.dimension_semantics<subcore_parallel>], iteration_bounds = array<i64: 2, 16>, scalar_prefetch = 0 : i64, scratch_operands = 21 : i64, tpu.core_type = #tpu.core_type<sc_vector_subcore>, window_params = [{transform_indices = #map}, {transform_indices = #map1}, {transform_indices = #map1}, {transform_indices = #map}, {transform_indices = #map2}]} {
    %mul3A = arith.constant 16 : i32
    %mul3A_0 = arith.muli %arg0, %mul3A : i32
    %add3A = arith.addi %mul3A_0, %arg1 : i32
    %mul3A_1 = arith.constant 10000 : i32
    %mul3A_2 = arith.muli %add3A, %mul3A_1 : i32
    %mul3A_3 = arith.constant 640 : i32
    %mul3A_4 = arith.muli %arg1, %mul3A_3 : i32
    "tpu.region"() ({
      %run_scoped3A = tpu.sem_alloc : memref<!tpu.dma_semaphore, #tpu.memory_space<semaphore_mem>>
      %dma_start3A_124 = arith.constant 0 : i32
      %dma_start3A_125 = tpu.memref_slice %arg7[%mul3A_4, %dma_start3A_124] : memref<10240x128xf32, #tpu.memory_space<vmem_shared>> -> memref<640x128xf32, #tpu.memory_space<vmem_shared>>
      %dma_start3A_126 = arith.constant 0 : i32
      %dma_start3A_127 = tpu.memref_slice %arg5[%mul3A_4, %dma_start3A_126] : memref<10240x128xf32, #tpu.memory_space<hbm>> -> memref<640x128xf32, #tpu.memory_space<hbm>>
      tpu.enqueue_dma source(%dma_start3A_127 : memref<640x128xf32, #tpu.memory_space<hbm>>) target(%dma_start3A_125 : memref<640x128xf32, #tpu.memory_space<vmem_shared>>) target_semaphore(%run_scoped3A : memref<!tpu.dma_semaphore, #tpu.memory_space<semaphore_mem>>)
      %dma_wait3A_128 = arith.constant 0 : i32
      %dma_wait3A_129 = tpu.memref_slice %arg7[%mul3A_4, %dma_wait3A_128] : memref<10240x128xf32, #tpu.memory_space<vmem_shared>> -> memref<640x128xf32, #tpu.memory_space<vmem_shared>>
      %dma_wait3A_130 = arith.constant 0 : i32
      %dma_wait3A_131 = tpu.memref_slice %arg5[%mul3A_4, %dma_wait3A_130] : memref<10240x128xf32, #tpu.memory_space<hbm>> -> memref<640x128xf32, #tpu.memory_space<hbm>>
      tpu.wait_dma2 semaphore(%run_scoped3A : memref<!tpu.dma_semaphore, #tpu.memory_space<semaphore_mem>>) src(%dma_wait3A_131 : memref<640x128xf32, #tpu.memory_space<hbm>>) dst(%dma_wait3A_129 : memref<640x128xf32, #tpu.memory_space<vmem_shared>>)
      tpu.yield
    }) : () -> ()
    %barrier3A = arith.constant 0 : index
    tpu.barrier barrier_id(%barrier3A)
    %add3A_5 = arith.constant 0 : i32
    %add3A_6 = arith.addi %mul3A_2, %add3A_5 : i32
    %dma_start3A = tpu.memref_slice %arg4[%add3A_6] : memref<320000xi32, #tpu.memory_space<hbm>> -> memref<80xi32, #tpu.memory_space<hbm>>
    %dma_start3A_7 = tpu.memref_slice %arg4[%add3A_6] : memref<320000xi32, #tpu.memory_space<hbm>> -> memref<80xi32, #tpu.memory_space<hbm>>
    tpu.enqueue_dma source(%dma_start3A_7 : memref<80xi32, #tpu.memory_space<hbm>>) target(%arg8 : memref<80xi32, #tpu.memory_space<vmem>>) target_semaphore(%arg20 : memref<!tpu.dma_semaphore, #tpu.memory_space<semaphore_mem>>)
    %dma_start3A_8 = tpu.memref_slice %arg3[%add3A_6] : memref<320000xi32, #tpu.memory_space<hbm>> -> memref<80xi32, #tpu.memory_space<hbm>>
    %dma_start3A_9 = tpu.memref_slice %arg3[%add3A_6] : memref<320000xi32, #tpu.memory_space<hbm>> -> memref<80xi32, #tpu.memory_space<hbm>>
    tpu.enqueue_dma source(%dma_start3A_9 : memref<80xi32, #tpu.memory_space<hbm>>) target(%arg12 : memref<80xi32, #tpu.memory_space<vmem>>) target_semaphore(%arg20 : memref<!tpu.dma_semaphore, #tpu.memory_space<semaphore_mem>>)
    %dma_wait3A = arith.constant 0 : i32
    %dma_wait3A_10 = tpu.memref_slice %arg4[%dma_wait3A] : memref<320000xi32, #tpu.memory_space<hbm>> -> memref<80xi32, #tpu.memory_space<hbm>>
    %dma_wait3A_11 = arith.constant 0 : i32
    %dma_wait3A_12 = tpu.memref_slice %arg4[%dma_wait3A_11] : memref<320000xi32, #tpu.memory_space<hbm>> -> memref<80xi32, #tpu.memory_space<hbm>>
    tpu.wait_dma2 semaphore(%arg20 : memref<!tpu.dma_semaphore, #tpu.memory_space<semaphore_mem>>) src(%dma_wait3A_12 : memref<80xi32, #tpu.memory_space<hbm>>) dst(%arg8 : memref<80xi32, #tpu.memory_space<vmem>>)
    %dma_wait3A_13 = arith.constant 0 : i32
    %dma_wait3A_14 = tpu.memref_slice %arg3[%dma_wait3A_13] : memref<320000xi32, #tpu.memory_space<hbm>> -> memref<80xi32, #tpu.memory_space<hbm>>
    %dma_wait3A_15 = arith.constant 0 : i32
    %dma_wait3A_16 = tpu.memref_slice %arg3[%dma_wait3A_15] : memref<320000xi32, #tpu.memory_space<hbm>> -> memref<80xi32, #tpu.memory_space<hbm>>
    tpu.wait_dma2 semaphore(%arg20 : memref<!tpu.dma_semaphore, #tpu.memory_space<semaphore_mem>>) src(%dma_wait3A_16 : memref<80xi32, #tpu.memory_space<hbm>>) dst(%arg12 : memref<80xi32, #tpu.memory_space<vmem>>)
    %dma_start3A_17 = arith.constant 0 : i32
    %dma_start3A_18 = arith.constant 0 : i32
    %dma_start3A_19 = tpu.memref_slice %arg2[%dma_start3A_17, %dma_start3A_18] : memref<10000x128xf32, #tpu.memory_space<hbm>> -> memref<10000x128xf32, #tpu.memory_space<hbm>>
    tpu.enqueue_indirect_dma source(%dma_start3A_19 : memref<10000x128xf32, #tpu.memory_space<hbm>>) target(%arg16 : memref<80x128xf32, #tpu.memory_space<vmem>>) offsets(%arg8 : memref<80xi32, #tpu.memory_space<vmem>>) semaphore(%arg24 : memref<!tpu.dma_semaphore, #tpu.memory_space<semaphore_mem>>)
    %add3A_20 = arith.constant 80 : i32
    %add3A_21 = arith.addi %mul3A_2, %add3A_20 : i32
    %dma_start3A_22 = tpu.memref_slice %arg4[%add3A_21] : memref<320000xi32, #tpu.memory_space<hbm>> -> memref<80xi32, #tpu.memory_space<hbm>>
    %dma_start3A_23 = tpu.memref_slice %arg4[%add3A_21] : memref<320000xi32, #tpu.memory_space<hbm>> -> memref<80xi32, #tpu.memory_space<hbm>>
    tpu.enqueue_dma source(%dma_start3A_23 : memref<80xi32, #tpu.memory_space<hbm>>) target(%arg9 : memref<80xi32, #tpu.memory_space<vmem>>) target_semaphore(%arg21 : memref<!tpu.dma_semaphore, #tpu.memory_space<semaphore_mem>>)
    %dma_start3A_24 = tpu.memref_slice %arg3[%add3A_21] : memref<320000xi32, #tpu.memory_space<hbm>> -> memref<80xi32, #tpu.memory_space<hbm>>
    %dma_start3A_25 = tpu.memref_slice %arg3[%add3A_21] : memref<320000xi32, #tpu.memory_space<hbm>> -> memref<80xi32, #tpu.memory_space<hbm>>
    tpu.enqueue_dma source(%dma_start3A_25 : memref<80xi32, #tpu.memory_space<hbm>>) target(%arg13 : memref<80xi32, #tpu.memory_space<vmem>>) target_semaphore(%arg21 : memref<!tpu.dma_semaphore, #tpu.memory_space<semaphore_mem>>)
    %dma_wait3A_26 = arith.constant 0 : i32
    %dma_wait3A_27 = tpu.memref_slice %arg4[%dma_wait3A_26] : memref<320000xi32, #tpu.memory_space<hbm>> -> memref<80xi32, #tpu.memory_space<hbm>>
    %dma_wait3A_28 = arith.constant 0 : i32
    %dma_wait3A_29 = tpu.memref_slice %arg4[%dma_wait3A_28] : memref<320000xi32, #tpu.memory_space<hbm>> -> memref<80xi32, #tpu.memory_space<hbm>>
    tpu.wait_dma2 semaphore(%arg21 : memref<!tpu.dma_semaphore, #tpu.memory_space<semaphore_mem>>) src(%dma_wait3A_29 : memref<80xi32, #tpu.memory_space<hbm>>) dst(%arg9 : memref<80xi32, #tpu.memory_space<vmem>>)
    %dma_wait3A_30 = arith.constant 0 : i32
    %dma_wait3A_31 = tpu.memref_slice %arg3[%dma_wait3A_30] : memref<320000xi32, #tpu.memory_space<hbm>> -> memref<80xi32, #tpu.memory_space<hbm>>
    %dma_wait3A_32 = arith.constant 0 : i32
    %dma_wait3A_33 = tpu.memref_slice %arg3[%dma_wait3A_32] : memref<320000xi32, #tpu.memory_space<hbm>> -> memref<80xi32, #tpu.memory_space<hbm>>
    tpu.wait_dma2 semaphore(%arg21 : memref<!tpu.dma_semaphore, #tpu.memory_space<semaphore_mem>>) src(%dma_wait3A_33 : memref<80xi32, #tpu.memory_space<hbm>>) dst(%arg13 : memref<80xi32, #tpu.memory_space<vmem>>)
    %dma_start3A_34 = arith.constant 0 : i32
    %dma_start3A_35 = arith.constant 0 : i32
    %dma_start3A_36 = tpu.memref_slice %arg2[%dma_start3A_34, %dma_start3A_35] : memref<10000x128xf32, #tpu.memory_space<hbm>> -> memref<10000x128xf32, #tpu.memory_space<hbm>>
    tpu.enqueue_indirect_dma source(%dma_start3A_36 : memref<10000x128xf32, #tpu.memory_space<hbm>>) target(%arg17 : memref<80x128xf32, #tpu.memory_space<vmem>>) offsets(%arg9 : memref<80xi32, #tpu.memory_space<vmem>>) semaphore(%arg25 : memref<!tpu.dma_semaphore, #tpu.memory_space<semaphore_mem>>)
    %add3A_37 = arith.constant 160 : i32
    %add3A_38 = arith.addi %mul3A_2, %add3A_37 : i32
    %dma_start3A_39 = tpu.memref_slice %arg4[%add3A_38] : memref<320000xi32, #tpu.memory_space<hbm>> -> memref<80xi32, #tpu.memory_space<hbm>>
    %dma_start3A_40 = tpu.memref_slice %arg4[%add3A_38] : memref<320000xi32, #tpu.memory_space<hbm>> -> memref<80xi32, #tpu.memory_space<hbm>>
    tpu.enqueue_dma source(%dma_start3A_40 : memref<80xi32, #tpu.memory_space<hbm>>) target(%arg10 : memref<80xi32, #tpu.memory_space<vmem>>) target_semaphore(%arg22 : memref<!tpu.dma_semaphore, #tpu.memory_space<semaphore_mem>>)
    %dma_start3A_41 = tpu.memref_slice %arg3[%add3A_38] : memref<320000xi32, #tpu.memory_space<hbm>> -> memref<80xi32, #tpu.memory_space<hbm>>
    %dma_start3A_42 = tpu.memref_slice %arg3[%add3A_38] : memref<320000xi32, #tpu.memory_space<hbm>> -> memref<80xi32, #tpu.memory_space<hbm>>
    tpu.enqueue_dma source(%dma_start3A_42 : memref<80xi32, #tpu.memory_space<hbm>>) target(%arg14 : memref<80xi32, #tpu.memory_space<vmem>>) target_semaphore(%arg22 : memref<!tpu.dma_semaphore, #tpu.memory_space<semaphore_mem>>)
    %dma_wait3A_43 = arith.constant 0 : i32
    %dma_wait3A_44 = tpu.memref_slice %arg4[%dma_wait3A_43] : memref<320000xi32, #tpu.memory_space<hbm>> -> memref<80xi32, #tpu.memory_space<hbm>>
    %dma_wait3A_45 = arith.constant 0 : i32
    %dma_wait3A_46 = tpu.memref_slice %arg4[%dma_wait3A_45] : memref<320000xi32, #tpu.memory_space<hbm>> -> memref<80xi32, #tpu.memory_space<hbm>>
    tpu.wait_dma2 semaphore(%arg22 : memref<!tpu.dma_semaphore, #tpu.memory_space<semaphore_mem>>) src(%dma_wait3A_46 : memref<80xi32, #tpu.memory_space<hbm>>) dst(%arg10 : memref<80xi32, #tpu.memory_space<vmem>>)
    %dma_wait3A_47 = arith.constant 0 : i32
    %dma_wait3A_48 = tpu.memref_slice %arg3[%dma_wait3A_47] : memref<320000xi32, #tpu.memory_space<hbm>> -> memref<80xi32, #tpu.memory_space<hbm>>
    %dma_wait3A_49 = arith.constant 0 : i32
    %dma_wait3A_50 = tpu.memref_slice %arg3[%dma_wait3A_49] : memref<320000xi32, #tpu.memory_space<hbm>> -> memref<80xi32, #tpu.memory_space<hbm>>
    tpu.wait_dma2 semaphore(%arg22 : memref<!tpu.dma_semaphore, #tpu.memory_space<semaphore_mem>>) src(%dma_wait3A_50 : memref<80xi32, #tpu.memory_space<hbm>>) dst(%arg14 : memref<80xi32, #tpu.memory_space<vmem>>)
    %dma_start3A_51 = arith.constant 0 : i32
    %dma_start3A_52 = arith.constant 0 : i32
    %dma_start3A_53 = tpu.memref_slice %arg2[%dma_start3A_51, %dma_start3A_52] : memref<10000x128xf32, #tpu.memory_space<hbm>> -> memref<10000x128xf32, #tpu.memory_space<hbm>>
    tpu.enqueue_indirect_dma source(%dma_start3A_53 : memref<10000x128xf32, #tpu.memory_space<hbm>>) target(%arg18 : memref<80x128xf32, #tpu.memory_space<vmem>>) offsets(%arg10 : memref<80xi32, #tpu.memory_space<vmem>>) semaphore(%arg26 : memref<!tpu.dma_semaphore, #tpu.memory_space<semaphore_mem>>)
    %add3A_54 = arith.constant 240 : i32
    %add3A_55 = arith.addi %mul3A_2, %add3A_54 : i32
    %dma_start3A_56 = tpu.memref_slice %arg4[%add3A_55] : memref<320000xi32, #tpu.memory_space<hbm>> -> memref<80xi32, #tpu.memory_space<hbm>>
    %dma_start3A_57 = tpu.memref_slice %arg4[%add3A_55] : memref<320000xi32, #tpu.memory_space<hbm>> -> memref<80xi32, #tpu.memory_space<hbm>>
    tpu.enqueue_dma source(%dma_start3A_57 : memref<80xi32, #tpu.memory_space<hbm>>) target(%arg11 : memref<80xi32, #tpu.memory_space<vmem>>) target_semaphore(%arg23 : memref<!tpu.dma_semaphore, #tpu.memory_space<semaphore_mem>>)
    %dma_start3A_58 = tpu.memref_slice %arg3[%add3A_55] : memref<320000xi32, #tpu.memory_space<hbm>> -> memref<80xi32, #tpu.memory_space<hbm>>
    %dma_start3A_59 = tpu.memref_slice %arg3[%add3A_55] : memref<320000xi32, #tpu.memory_space<hbm>> -> memref<80xi32, #tpu.memory_space<hbm>>
    tpu.enqueue_dma source(%dma_start3A_59 : memref<80xi32, #tpu.memory_space<hbm>>) target(%arg15 : memref<80xi32, #tpu.memory_space<vmem>>) target_semaphore(%arg23 : memref<!tpu.dma_semaphore, #tpu.memory_space<semaphore_mem>>)
    %scan3A = arith.constant 0 : i32
    %scan3A_60 = arith.constant 0 : i32
    %scan3A_61 = arith.constant 30 : i32
    %scan3A_62 = arith.addi %scan3A_60, %scan3A_61 : i32
    %scan3A_63 = arith.constant 1 : i32
    scf.for %scan3A_124 = %scan3A_60 to %scan3A_62 step %scan3A_63  : i32 {
      %mul3A_125 = arith.constant 4 : i32
      %mul3A_126 = arith.muli %mul3A_125, %scan3A_124 : i32
      %dma_wait3A_127 = arith.constant 0 : i32
      %dma_wait3A_128 = tpu.memref_slice %arg4[%dma_wait3A_127] : memref<320000xi32, #tpu.memory_space<hbm>> -> memref<80xi32, #tpu.memory_space<hbm>>
      %dma_wait3A_129 = arith.constant 0 : i32
      %dma_wait3A_130 = tpu.memref_slice %arg4[%dma_wait3A_129] : memref<320000xi32, #tpu.memory_space<hbm>> -> memref<80xi32, #tpu.memory_space<hbm>>
      tpu.wait_dma2 semaphore(%arg23 : memref<!tpu.dma_semaphore, #tpu.memory_space<semaphore_mem>>) src(%dma_wait3A_130 : memref<80xi32, #tpu.memory_space<hbm>>) dst(%arg11 : memref<80xi32, #tpu.memory_space<vmem>>)
      %dma_wait3A_131 = arith.constant 0 : i32
      %dma_wait3A_132 = tpu.memref_slice %arg3[%dma_wait3A_131] : memref<320000xi32, #tpu.memory_space<hbm>> -> memref<80xi32, #tpu.memory_space<hbm>>
      %dma_wait3A_133 = arith.constant 0 : i32
      %dma_wait3A_134 = tpu.memref_slice %arg3[%dma_wait3A_133] : memref<320000xi32, #tpu.memory_space<hbm>> -> memref<80xi32, #tpu.memory_space<hbm>>
      tpu.wait_dma2 semaphore(%arg23 : memref<!tpu.dma_semaphore, #tpu.memory_space<semaphore_mem>>) src(%dma_wait3A_134 : memref<80xi32, #tpu.memory_space<hbm>>) dst(%arg15 : memref<80xi32, #tpu.memory_space<vmem>>)
      %add3A_135 = arith.constant 3 : i32
      %add3A_136 = arith.addi %mul3A_126, %add3A_135 : i32
      %dma_start3A_137 = arith.constant 0 : i32
      %dma_start3A_138 = arith.constant 0 : i32
      %dma_start3A_139 = tpu.memref_slice %arg2[%dma_start3A_137, %dma_start3A_138] : memref<10000x128xf32, #tpu.memory_space<hbm>> -> memref<10000x128xf32, #tpu.memory_space<hbm>>
      tpu.enqueue_indirect_dma source(%dma_start3A_139 : memref<10000x128xf32, #tpu.memory_space<hbm>>) target(%arg19 : memref<80x128xf32, #tpu.memory_space<vmem>>) offsets(%arg11 : memref<80xi32, #tpu.memory_space<vmem>>) semaphore(%arg27 : memref<!tpu.dma_semaphore, #tpu.memory_space<semaphore_mem>>)
      %dma_wait3A_140 = arith.constant 0 : i32
      %dma_wait3A_141 = arith.constant 0 : i32
      %dma_wait3A_142 = tpu.memref_slice %arg2[%dma_wait3A_140, %dma_wait3A_141] : memref<10000x128xf32, #tpu.memory_space<hbm>> -> memref<80x128xf32, #tpu.memory_space<hbm>>
      %dma_wait3A_143 = arith.constant 0 : i32
      %dma_wait3A_144 = arith.constant 0 : i32
      %dma_wait3A_145 = tpu.memref_slice %arg2[%dma_wait3A_143, %dma_wait3A_144] : memref<10000x128xf32, #tpu.memory_space<hbm>> -> memref<80x128xf32, #tpu.memory_space<hbm>>
      tpu.wait_dma2 semaphore(%arg24 : memref<!tpu.dma_semaphore, #tpu.memory_space<semaphore_mem>>) src(%dma_wait3A_145 : memref<80x128xf32, #tpu.memory_space<hbm>>) dst(%arg16 : memref<80x128xf32, #tpu.memory_space<vmem>>)
      "tpu.region"() ({
        %run_scoped3A = tpu.sem_alloc : memref<!tpu.dma_semaphore, #tpu.memory_space<semaphore_mem>>
        %dma_start3A_240 = arith.constant 0 : i32
        %dma_start3A_241 = arith.constant 0 : i32
        %dma_start3A_242 = tpu.memref_slice %arg7[%dma_start3A_240, %dma_start3A_241] : memref<10240x128xf32, #tpu.memory_space<vmem_shared>> -> memref<10240x128xf32, #tpu.memory_space<vmem_shared>>
        tpu.enqueue_indirect_dma source(%arg16 : memref<80x128xf32, #tpu.memory_space<vmem>>) target(%dma_start3A_242 : memref<10240x128xf32, #tpu.memory_space<vmem_shared>>) offsets(%arg12 : memref<80xi32, #tpu.memory_space<vmem>>) semaphore(%run_scoped3A : memref<!tpu.dma_semaphore, #tpu.memory_space<semaphore_mem>>) {add = true}
        %dma_wait3A_243 = arith.constant 0 : i32
        %dma_wait3A_244 = arith.constant 0 : i32
        %dma_wait3A_245 = tpu.memref_slice %arg7[%dma_wait3A_243, %dma_wait3A_244] : memref<10240x128xf32, #tpu.memory_space<vmem_shared>> -> memref<10240x128xf32, #tpu.memory_space<vmem_shared>>
        tpu.wait_indirect_dma semaphore(%run_scoped3A : memref<!tpu.dma_semaphore, #tpu.memory_space<semaphore_mem>>) src(%arg16 : memref<80x128xf32, #tpu.memory_space<vmem>>) dst(%dma_wait3A_245 : memref<10240x128xf32, #tpu.memory_space<vmem_shared>>)
        tpu.yield
      }) : () -> ()
      %add3A_146 = arith.constant 4 : i32
      %add3A_147 = arith.addi %mul3A_126, %add3A_146 : i32
      %lt3A = arith.constant 125 : i32
      %lt3A_148 = arith.cmpi slt, %add3A_147, %lt3A : i32
      %convert_element_type3A = arith.extui %lt3A_148 : i1 to i32
      %cond3A = arith.constant 0 : i32
      %cond3A_149 = arith.cmpi ne, %convert_element_type3A, %cond3A : i32
      scf.if %cond3A_149 {
        %mul3A_240 = arith.constant 80 : i32
        %mul3A_241 = arith.muli %add3A_147, %mul3A_240 : i32
        %add3A_242 = arith.addi %mul3A_2, %mul3A_241 : i32
        %dma_start3A_243 = tpu.memref_slice %arg4[%add3A_242] : memref<320000xi32, #tpu.memory_space<hbm>> -> memref<80xi32, #tpu.memory_space<hbm>>
        %dma_start3A_244 = tpu.memref_slice %arg4[%add3A_242] : memref<320000xi32, #tpu.memory_space<hbm>> -> memref<80xi32, #tpu.memory_space<hbm>>
        tpu.enqueue_dma source(%dma_start3A_244 : memref<80xi32, #tpu.memory_space<hbm>>) target(%arg8 : memref<80xi32, #tpu.memory_space<vmem>>) target_semaphore(%arg20 : memref<!tpu.dma_semaphore, #tpu.memory_space<semaphore_mem>>)
        %dma_start3A_245 = tpu.memref_slice %arg3[%add3A_242] : memref<320000xi32, #tpu.memory_space<hbm>> -> memref<80xi32, #tpu.memory_space<hbm>>
        %dma_start3A_246 = tpu.memref_slice %arg3[%add3A_242] : memref<320000xi32, #tpu.memory_space<hbm>> -> memref<80xi32, #tpu.memory_space<hbm>>
        tpu.enqueue_dma source(%dma_start3A_246 : memref<80xi32, #tpu.memory_space<hbm>>) target(%arg12 : memref<80xi32, #tpu.memory_space<vmem>>) target_semaphore(%arg20 : memref<!tpu.dma_semaphore, #tpu.memory_space<semaphore_mem>>)
      } else {
      }
      %mul3A_150 = arith.constant 4 : i32
      %mul3A_151 = arith.muli %mul3A_150, %scan3A_124 : i32
      %add3A_152 = arith.constant 1 : i32
      %add3A_153 = arith.addi %mul3A_151, %add3A_152 : i32
      %dma_wait3A_154 = arith.constant 0 : i32
      %dma_wait3A_155 = tpu.memref_slice %arg4[%dma_wait3A_154] : memref<320000xi32, #tpu.memory_space<hbm>> -> memref<80xi32, #tpu.memory_space<hbm>>
      %dma_wait3A_156 = arith.constant 0 : i32
      %dma_wait3A_157 = tpu.memref_slice %arg4[%dma_wait3A_156] : memref<320000xi32, #tpu.memory_space<hbm>> -> memref<80xi32, #tpu.memory_space<hbm>>
      tpu.wait_dma2 semaphore(%arg20 : memref<!tpu.dma_semaphore, #tpu.memory_space<semaphore_mem>>) src(%dma_wait3A_157 : memref<80xi32, #tpu.memory_space<hbm>>) dst(%arg8 : memref<80xi32, #tpu.memory_space<vmem>>)
      %dma_wait3A_158 = arith.constant 0 : i32
      %dma_wait3A_159 = tpu.memref_slice %arg3[%dma_wait3A_158] : memref<320000xi32, #tpu.memory_space<hbm>> -> memref<80xi32, #tpu.memory_space<hbm>>
      %dma_wait3A_160 = arith.constant 0 : i32
      %dma_wait3A_161 = tpu.memref_slice %arg3[%dma_wait3A_160] : memref<320000xi32, #tpu.memory_space<hbm>> -> memref<80xi32, #tpu.memory_space<hbm>>
      tpu.wait_dma2 semaphore(%arg20 : memref<!tpu.dma_semaphore, #tpu.memory_space<semaphore_mem>>) src(%dma_wait3A_161 : memref<80xi32, #tpu.memory_space<hbm>>) dst(%arg12 : memref<80xi32, #tpu.memory_space<vmem>>)
      %add3A_162 = arith.constant 3 : i32
      %add3A_163 = arith.addi %add3A_153, %add3A_162 : i32
      %dma_start3A_164 = arith.constant 0 : i32
      %dma_start3A_165 = arith.constant 0 : i32
      %dma_start3A_166 = tpu.memref_slice %arg2[%dma_start3A_164, %dma_start3A_165] : memref<10000x128xf32, #tpu.memory_space<hbm>> -> memref<10000x128xf32, #tpu.memory_space<hbm>>
      tpu.enqueue_indirect_dma source(%dma_start3A_166 : memref<10000x128xf32, #tpu.memory_space<hbm>>) target(%arg16 : memref<80x128xf32, #tpu.memory_space<vmem>>) offsets(%arg8 : memref<80xi32, #tpu.memory_space<vmem>>) semaphore(%arg24 : memref<!tpu.dma_semaphore, #tpu.memory_space<semaphore_mem>>)
      %dma_wait3A_167 = arith.constant 0 : i32
      %dma_wait3A_168 = arith.constant 0 : i32
      %dma_wait3A_169 = tpu.memref_slice %arg2[%dma_wait3A_167, %dma_wait3A_168] : memref<10000x128xf32, #tpu.memory_space<hbm>> -> memref<80x128xf32, #tpu.memory_space<hbm>>
      %dma_wait3A_170 = arith.constant 0 : i32
      %dma_wait3A_171 = arith.constant 0 : i32
      %dma_wait3A_172 = tpu.memref_slice %arg2[%dma_wait3A_170, %dma_wait3A_171] : memref<10000x128xf32, #tpu.memory_space<hbm>> -> memref<80x128xf32, #tpu.memory_space<hbm>>
      tpu.wait_dma2 semaphore(%arg25 : memref<!tpu.dma_semaphore, #tpu.memory_space<semaphore_mem>>) src(%dma_wait3A_172 : memref<80x128xf32, #tpu.memory_space<hbm>>) dst(%arg17 : memref<80x128xf32, #tpu.memory_space<vmem>>)
      "tpu.region"() ({
        %run_scoped3A = tpu.sem_alloc : memref<!tpu.dma_semaphore, #tpu.memory_space<semaphore_mem>>
        %dma_start3A_240 = arith.constant 0 : i32
        %dma_start3A_241 = arith.constant 0 : i32
        %dma_start3A_242 = tpu.memref_slice %arg7[%dma_start3A_240, %dma_start3A_241] : memref<10240x128xf32, #tpu.memory_space<vmem_shared>> -> memref<10240x128xf32, #tpu.memory_space<vmem_shared>>
        tpu.enqueue_indirect_dma source(%arg17 : memref<80x128xf32, #tpu.memory_space<vmem>>) target(%dma_start3A_242 : memref<10240x128xf32, #tpu.memory_space<vmem_shared>>) offsets(%arg13 : memref<80xi32, #tpu.memory_space<vmem>>) semaphore(%run_scoped3A : memref<!tpu.dma_semaphore, #tpu.memory_space<semaphore_mem>>) {add = true}
        %dma_wait3A_243 = arith.constant 0 : i32
        %dma_wait3A_244 = arith.constant 0 : i32
        %dma_wait3A_245 = tpu.memref_slice %arg7[%dma_wait3A_243, %dma_wait3A_244] : memref<10240x128xf32, #tpu.memory_space<vmem_shared>> -> memref<10240x128xf32, #tpu.memory_space<vmem_shared>>
        tpu.wait_indirect_dma semaphore(%run_scoped3A : memref<!tpu.dma_semaphore, #tpu.memory_space<semaphore_mem>>) src(%arg17 : memref<80x128xf32, #tpu.memory_space<vmem>>) dst(%dma_wait3A_245 : memref<10240x128xf32, #tpu.memory_space<vmem_shared>>)
        tpu.yield
      }) : () -> ()
      %add3A_173 = arith.constant 4 : i32
      %add3A_174 = arith.addi %add3A_153, %add3A_173 : i32
      %lt3A_175 = arith.constant 125 : i32
      %lt3A_176 = arith.cmpi slt, %add3A_174, %lt3A_175 : i32
      %convert_element_type3A_177 = arith.extui %lt3A_176 : i1 to i32
      %cond3A_178 = arith.constant 0 : i32
      %cond3A_179 = arith.cmpi ne, %convert_element_type3A_177, %cond3A_178 : i32
      scf.if %cond3A_179 {
        %mul3A_240 = arith.constant 80 : i32
        %mul3A_241 = arith.muli %add3A_174, %mul3A_240 : i32
        %add3A_242 = arith.addi %mul3A_2, %mul3A_241 : i32
        %dma_start3A_243 = tpu.memref_slice %arg4[%add3A_242] : memref<320000xi32, #tpu.memory_space<hbm>> -> memref<80xi32, #tpu.memory_space<hbm>>
        %dma_start3A_244 = tpu.memref_slice %arg4[%add3A_242] : memref<320000xi32, #tpu.memory_space<hbm>> -> memref<80xi32, #tpu.memory_space<hbm>>
        tpu.enqueue_dma source(%dma_start3A_244 : memref<80xi32, #tpu.memory_space<hbm>>) target(%arg9 : memref<80xi32, #tpu.memory_space<vmem>>) target_semaphore(%arg21 : memref<!tpu.dma_semaphore, #tpu.memory_space<semaphore_mem>>)
        %dma_start3A_245 = tpu.memref_slice %arg3[%add3A_242] : memref<320000xi32, #tpu.memory_space<hbm>> -> memref<80xi32, #tpu.memory_space<hbm>>
        %dma_start3A_246 = tpu.memref_slice %arg3[%add3A_242] : memref<320000xi32, #tpu.memory_space<hbm>> -> memref<80xi32, #tpu.memory_space<hbm>>
        tpu.enqueue_dma source(%dma_start3A_246 : memref<80xi32, #tpu.memory_space<hbm>>) target(%arg13 : memref<80xi32, #tpu.memory_space<vmem>>) target_semaphore(%arg21 : memref<!tpu.dma_semaphore, #tpu.memory_space<semaphore_mem>>)
      } else {
      }
      %mul3A_180 = arith.constant 4 : i32
      %mul3A_181 = arith.muli %mul3A_180, %scan3A_124 : i32
      %add3A_182 = arith.constant 2 : i32
      %add3A_183 = arith.addi %mul3A_181, %add3A_182 : i32
      %dma_wait3A_184 = arith.constant 0 : i32
      %dma_wait3A_185 = tpu.memref_slice %arg4[%dma_wait3A_184] : memref<320000xi32, #tpu.memory_space<hbm>> -> memref<80xi32, #tpu.memory_space<hbm>>
      %dma_wait3A_186 = arith.constant 0 : i32
      %dma_wait3A_187 = tpu.memref_slice %arg4[%dma_wait3A_186] : memref<320000xi32, #tpu.memory_space<hbm>> -> memref<80xi32, #tpu.memory_space<hbm>>
      tpu.wait_dma2 semaphore(%arg21 : memref<!tpu.dma_semaphore, #tpu.memory_space<semaphore_mem>>) src(%dma_wait3A_187 : memref<80xi32, #tpu.memory_space<hbm>>) dst(%arg9 : memref<80xi32, #tpu.memory_space<vmem>>)
      %dma_wait3A_188 = arith.constant 0 : i32
      %dma_wait3A_189 = tpu.memref_slice %arg3[%dma_wait3A_188] : memref<320000xi32, #tpu.memory_space<hbm>> -> memref<80xi32, #tpu.memory_space<hbm>>
      %dma_wait3A_190 = arith.constant 0 : i32
      %dma_wait3A_191 = tpu.memref_slice %arg3[%dma_wait3A_190] : memref<320000xi32, #tpu.memory_space<hbm>> -> memref<80xi32, #tpu.memory_space<hbm>>
      tpu.wait_dma2 semaphore(%arg21 : memref<!tpu.dma_semaphore, #tpu.memory_space<semaphore_mem>>) src(%dma_wait3A_191 : memref<80xi32, #tpu.memory_space<hbm>>) dst(%arg13 : memref<80xi32, #tpu.memory_space<vmem>>)
      %add3A_192 = arith.constant 3 : i32
      %add3A_193 = arith.addi %add3A_183, %add3A_192 : i32
      %dma_start3A_194 = arith.constant 0 : i32
      %dma_start3A_195 = arith.constant 0 : i32
      %dma_start3A_196 = tpu.memref_slice %arg2[%dma_start3A_194, %dma_start3A_195] : memref<10000x128xf32, #tpu.memory_space<hbm>> -> memref<10000x128xf32, #tpu.memory_space<hbm>>
      tpu.enqueue_indirect_dma source(%dma_start3A_196 : memref<10000x128xf32, #tpu.memory_space<hbm>>) target(%arg17 : memref<80x128xf32, #tpu.memory_space<vmem>>) offsets(%arg9 : memref<80xi32, #tpu.memory_space<vmem>>) semaphore(%arg25 : memref<!tpu.dma_semaphore, #tpu.memory_space<semaphore_mem>>)
      %dma_wait3A_197 = arith.constant 0 : i32
      %dma_wait3A_198 = arith.constant 0 : i32
      %dma_wait3A_199 = tpu.memref_slice %arg2[%dma_wait3A_197, %dma_wait3A_198] : memref<10000x128xf32, #tpu.memory_space<hbm>> -> memref<80x128xf32, #tpu.memory_space<hbm>>
      %dma_wait3A_200 = arith.constant 0 : i32
      %dma_wait3A_201 = arith.constant 0 : i32
      %dma_wait3A_202 = tpu.memref_slice %arg2[%dma_wait3A_200, %dma_wait3A_201] : memref<10000x128xf32, #tpu.memory_space<hbm>> -> memref<80x128xf32, #tpu.memory_space<hbm>>
      tpu.wait_dma2 semaphore(%arg26 : memref<!tpu.dma_semaphore, #tpu.memory_space<semaphore_mem>>) src(%dma_wait3A_202 : memref<80x128xf32, #tpu.memory_space<hbm>>) dst(%arg18 : memref<80x128xf32, #tpu.memory_space<vmem>>)
      "tpu.region"() ({
        %run_scoped3A = tpu.sem_alloc : memref<!tpu.dma_semaphore, #tpu.memory_space<semaphore_mem>>
        %dma_start3A_240 = arith.constant 0 : i32
        %dma_start3A_241 = arith.constant 0 : i32
        %dma_start3A_242 = tpu.memref_slice %arg7[%dma_start3A_240, %dma_start3A_241] : memref<10240x128xf32, #tpu.memory_space<vmem_shared>> -> memref<10240x128xf32, #tpu.memory_space<vmem_shared>>
        tpu.enqueue_indirect_dma source(%arg18 : memref<80x128xf32, #tpu.memory_space<vmem>>) target(%dma_start3A_242 : memref<10240x128xf32, #tpu.memory_space<vmem_shared>>) offsets(%arg14 : memref<80xi32, #tpu.memory_space<vmem>>) semaphore(%run_scoped3A : memref<!tpu.dma_semaphore, #tpu.memory_space<semaphore_mem>>) {add = true}
        %dma_wait3A_243 = arith.constant 0 : i32
        %dma_wait3A_244 = arith.constant 0 : i32
        %dma_wait3A_245 = tpu.memref_slice %arg7[%dma_wait3A_243, %dma_wait3A_244] : memref<10240x128xf32, #tpu.memory_space<vmem_shared>> -> memref<10240x128xf32, #tpu.memory_space<vmem_shared>>
        tpu.wait_indirect_dma semaphore(%run_scoped3A : memref<!tpu.dma_semaphore, #tpu.memory_space<semaphore_mem>>) src(%arg18 : memref<80x128xf32, #tpu.memory_space<vmem>>) dst(%dma_wait3A_245 : memref<10240x128xf32, #tpu.memory_space<vmem_shared>>)
        tpu.yield
      }) : () -> ()
      %add3A_203 = arith.constant 4 : i32
      %add3A_204 = arith.addi %add3A_183, %add3A_203 : i32
      %lt3A_205 = arith.constant 125 : i32
      %lt3A_206 = arith.cmpi slt, %add3A_204, %lt3A_205 : i32
      %convert_element_type3A_207 = arith.extui %lt3A_206 : i1 to i32
      %cond3A_208 = arith.constant 0 : i32
      %cond3A_209 = arith.cmpi ne, %convert_element_type3A_207, %cond3A_208 : i32
      scf.if %cond3A_209 {
        %mul3A_240 = arith.constant 80 : i32
        %mul3A_241 = arith.muli %add3A_204, %mul3A_240 : i32
        %add3A_242 = arith.addi %mul3A_2, %mul3A_241 : i32
        %dma_start3A_243 = tpu.memref_slice %arg4[%add3A_242] : memref<320000xi32, #tpu.memory_space<hbm>> -> memref<80xi32, #tpu.memory_space<hbm>>
        %dma_start3A_244 = tpu.memref_slice %arg4[%add3A_242] : memref<320000xi32, #tpu.memory_space<hbm>> -> memref<80xi32, #tpu.memory_space<hbm>>
        tpu.enqueue_dma source(%dma_start3A_244 : memref<80xi32, #tpu.memory_space<hbm>>) target(%arg10 : memref<80xi32, #tpu.memory_space<vmem>>) target_semaphore(%arg22 : memref<!tpu.dma_semaphore, #tpu.memory_space<semaphore_mem>>)
        %dma_start3A_245 = tpu.memref_slice %arg3[%add3A_242] : memref<320000xi32, #tpu.memory_space<hbm>> -> memref<80xi32, #tpu.memory_space<hbm>>
        %dma_start3A_246 = tpu.memref_slice %arg3[%add3A_242] : memref<320000xi32, #tpu.memory_space<hbm>> -> memref<80xi32, #tpu.memory_space<hbm>>
        tpu.enqueue_dma source(%dma_start3A_246 : memref<80xi32, #tpu.memory_space<hbm>>) target(%arg14 : memref<80xi32, #tpu.memory_space<vmem>>) target_semaphore(%arg22 : memref<!tpu.dma_semaphore, #tpu.memory_space<semaphore_mem>>)
      } else {
      }
      %mul3A_210 = arith.constant 4 : i32
      %mul3A_211 = arith.muli %mul3A_210, %scan3A_124 : i32
      %add3A_212 = arith.constant 3 : i32
      %add3A_213 = arith.addi %mul3A_211, %add3A_212 : i32
      %dma_wait3A_214 = arith.constant 0 : i32
      %dma_wait3A_215 = tpu.memref_slice %arg4[%dma_wait3A_214] : memref<320000xi32, #tpu.memory_space<hbm>> -> memref<80xi32, #tpu.memory_space<hbm>>
      %dma_wait3A_216 = arith.constant 0 : i32
      %dma_wait3A_217 = tpu.memref_slice %arg4[%dma_wait3A_216] : memref<320000xi32, #tpu.memory_space<hbm>> -> memref<80xi32, #tpu.memory_space<hbm>>
      tpu.wait_dma2 semaphore(%arg22 : memref<!tpu.dma_semaphore, #tpu.memory_space<semaphore_mem>>) src(%dma_wait3A_217 : memref<80xi32, #tpu.memory_space<hbm>>) dst(%arg10 : memref<80xi32, #tpu.memory_space<vmem>>)
      %dma_wait3A_218 = arith.constant 0 : i32
      %dma_wait3A_219 = tpu.memref_slice %arg3[%dma_wait3A_218] : memref<320000xi32, #tpu.memory_space<hbm>> -> memref<80xi32, #tpu.memory_space<hbm>>
      %dma_wait3A_220 = arith.constant 0 : i32
      %dma_wait3A_221 = tpu.memref_slice %arg3[%dma_wait3A_220] : memref<320000xi32, #tpu.memory_space<hbm>> -> memref<80xi32, #tpu.memory_space<hbm>>
      tpu.wait_dma2 semaphore(%arg22 : memref<!tpu.dma_semaphore, #tpu.memory_space<semaphore_mem>>) src(%dma_wait3A_221 : memref<80xi32, #tpu.memory_space<hbm>>) dst(%arg14 : memref<80xi32, #tpu.memory_space<vmem>>)
      %add3A_222 = arith.constant 3 : i32
      %add3A_223 = arith.addi %add3A_213, %add3A_222 : i32
      %dma_start3A_224 = arith.constant 0 : i32
      %dma_start3A_225 = arith.constant 0 : i32
      %dma_start3A_226 = tpu.memref_slice %arg2[%dma_start3A_224, %dma_start3A_225] : memref<10000x128xf32, #tpu.memory_space<hbm>> -> memref<10000x128xf32, #tpu.memory_space<hbm>>
      tpu.enqueue_indirect_dma source(%dma_start3A_226 : memref<10000x128xf32, #tpu.memory_space<hbm>>) target(%arg18 : memref<80x128xf32, #tpu.memory_space<vmem>>) offsets(%arg10 : memref<80xi32, #tpu.memory_space<vmem>>) semaphore(%arg26 : memref<!tpu.dma_semaphore, #tpu.memory_space<semaphore_mem>>)
      %dma_wait3A_227 = arith.constant 0 : i32
      %dma_wait3A_228 = arith.constant 0 : i32
      %dma_wait3A_229 = tpu.memref_slice %arg2[%dma_wait3A_227, %dma_wait3A_228] : memref<10000x128xf32, #tpu.memory_space<hbm>> -> memref<80x128xf32, #tpu.memory_space<hbm>>
      %dma_wait3A_230 = arith.constant 0 : i32
      %dma_wait3A_231 = arith.constant 0 : i32
      %dma_wait3A_232 = tpu.memref_slice %arg2[%dma_wait3A_230, %dma_wait3A_231] : memref<10000x128xf32, #tpu.memory_space<hbm>> -> memref<80x128xf32, #tpu.memory_space<hbm>>
      tpu.wait_dma2 semaphore(%arg27 : memref<!tpu.dma_semaphore, #tpu.memory_space<semaphore_mem>>) src(%dma_wait3A_232 : memref<80x128xf32, #tpu.memory_space<hbm>>) dst(%arg19 : memref<80x128xf32, #tpu.memory_space<vmem>>)
      "tpu.region"() ({
        %run_scoped3A = tpu.sem_alloc : memref<!tpu.dma_semaphore, #tpu.memory_space<semaphore_mem>>
        %dma_start3A_240 = arith.constant 0 : i32
        %dma_start3A_241 = arith.constant 0 : i32
        %dma_start3A_242 = tpu.memref_slice %arg7[%dma_start3A_240, %dma_start3A_241] : memref<10240x128xf32, #tpu.memory_space<vmem_shared>> -> memref<10240x128xf32, #tpu.memory_space<vmem_shared>>
        tpu.enqueue_indirect_dma source(%arg19 : memref<80x128xf32, #tpu.memory_space<vmem>>) target(%dma_start3A_242 : memref<10240x128xf32, #tpu.memory_space<vmem_shared>>) offsets(%arg15 : memref<80xi32, #tpu.memory_space<vmem>>) semaphore(%run_scoped3A : memref<!tpu.dma_semaphore, #tpu.memory_space<semaphore_mem>>) {add = true}
        %dma_wait3A_243 = arith.constant 0 : i32
        %dma_wait3A_244 = arith.constant 0 : i32
        %dma_wait3A_245 = tpu.memref_slice %arg7[%dma_wait3A_243, %dma_wait3A_244] : memref<10240x128xf32, #tpu.memory_space<vmem_shared>> -> memref<10240x128xf32, #tpu.memory_space<vmem_shared>>
        tpu.wait_indirect_dma semaphore(%run_scoped3A : memref<!tpu.dma_semaphore, #tpu.memory_space<semaphore_mem>>) src(%arg19 : memref<80x128xf32, #tpu.memory_space<vmem>>) dst(%dma_wait3A_245 : memref<10240x128xf32, #tpu.memory_space<vmem_shared>>)
        tpu.yield
      }) : () -> ()
      %add3A_233 = arith.constant 4 : i32
      %add3A_234 = arith.addi %add3A_213, %add3A_233 : i32
      %lt3A_235 = arith.constant 125 : i32
      %lt3A_236 = arith.cmpi slt, %add3A_234, %lt3A_235 : i32
      %convert_element_type3A_237 = arith.extui %lt3A_236 : i1 to i32
      %cond3A_238 = arith.constant 0 : i32
      %cond3A_239 = arith.cmpi ne, %convert_element_type3A_237, %cond3A_238 : i32
      scf.if %cond3A_239 {
        %mul3A_240 = arith.constant 80 : i32
        %mul3A_241 = arith.muli %add3A_234, %mul3A_240 : i32
        %add3A_242 = arith.addi %mul3A_2, %mul3A_241 : i32
        %dma_start3A_243 = tpu.memref_slice %arg4[%add3A_242] : memref<320000xi32, #tpu.memory_space<hbm>> -> memref<80xi32, #tpu.memory_space<hbm>>
        %dma_start3A_244 = tpu.memref_slice %arg4[%add3A_242] : memref<320000xi32, #tpu.memory_space<hbm>> -> memref<80xi32, #tpu.memory_space<hbm>>
        tpu.enqueue_dma source(%dma_start3A_244 : memref<80xi32, #tpu.memory_space<hbm>>) target(%arg11 : memref<80xi32, #tpu.memory_space<vmem>>) target_semaphore(%arg23 : memref<!tpu.dma_semaphore, #tpu.memory_space<semaphore_mem>>)
        %dma_start3A_245 = tpu.memref_slice %arg3[%add3A_242] : memref<320000xi32, #tpu.memory_space<hbm>> -> memref<80xi32, #tpu.memory_space<hbm>>
        %dma_start3A_246 = tpu.memref_slice %arg3[%add3A_242] : memref<320000xi32, #tpu.memory_space<hbm>> -> memref<80xi32, #tpu.memory_space<hbm>>
        tpu.enqueue_dma source(%dma_start3A_246 : memref<80xi32, #tpu.memory_space<hbm>>) target(%arg15 : memref<80xi32, #tpu.memory_space<vmem>>) target_semaphore(%arg23 : memref<!tpu.dma_semaphore, #tpu.memory_space<semaphore_mem>>)
      } else {
      }
    }
    %scan3A_64 = arith.constant 30 : i32
    %dma_wait3A_65 = arith.constant 0 : i32
    %dma_wait3A_66 = tpu.memref_slice %arg4[%dma_wait3A_65] : memref<320000xi32, #tpu.memory_space<hbm>> -> memref<80xi32, #tpu.memory_space<hbm>>
    %dma_wait3A_67 = arith.constant 0 : i32
    %dma_wait3A_68 = tpu.memref_slice %arg4[%dma_wait3A_67] : memref<320000xi32, #tpu.memory_space<hbm>> -> memref<80xi32, #tpu.memory_space<hbm>>
    tpu.wait_dma2 semaphore(%arg23 : memref<!tpu.dma_semaphore, #tpu.memory_space<semaphore_mem>>) src(%dma_wait3A_68 : memref<80xi32, #tpu.memory_space<hbm>>) dst(%arg11 : memref<80xi32, #tpu.memory_space<vmem>>)
    %dma_wait3A_69 = arith.constant 0 : i32
    %dma_wait3A_70 = tpu.memref_slice %arg3[%dma_wait3A_69] : memref<320000xi32, #tpu.memory_space<hbm>> -> memref<80xi32, #tpu.memory_space<hbm>>
    %dma_wait3A_71 = arith.constant 0 : i32
    %dma_wait3A_72 = tpu.memref_slice %arg3[%dma_wait3A_71] : memref<320000xi32, #tpu.memory_space<hbm>> -> memref<80xi32, #tpu.memory_space<hbm>>
    tpu.wait_dma2 semaphore(%arg23 : memref<!tpu.dma_semaphore, #tpu.memory_space<semaphore_mem>>) src(%dma_wait3A_72 : memref<80xi32, #tpu.memory_space<hbm>>) dst(%arg15 : memref<80xi32, #tpu.memory_space<vmem>>)
    %dma_start3A_73 = arith.constant 0 : i32
    %dma_start3A_74 = arith.constant 0 : i32
    %dma_start3A_75 = tpu.memref_slice %arg2[%dma_start3A_73, %dma_start3A_74] : memref<10000x128xf32, #tpu.memory_space<hbm>> -> memref<10000x128xf32, #tpu.memory_space<hbm>>
    tpu.enqueue_indirect_dma source(%dma_start3A_75 : memref<10000x128xf32, #tpu.memory_space<hbm>>) target(%arg19 : memref<80x128xf32, #tpu.memory_space<vmem>>) offsets(%arg11 : memref<80xi32, #tpu.memory_space<vmem>>) semaphore(%arg27 : memref<!tpu.dma_semaphore, #tpu.memory_space<semaphore_mem>>)
    %dma_wait3A_76 = arith.constant 0 : i32
    %dma_wait3A_77 = arith.constant 0 : i32
    %dma_wait3A_78 = tpu.memref_slice %arg2[%dma_wait3A_76, %dma_wait3A_77] : memref<10000x128xf32, #tpu.memory_space<hbm>> -> memref<80x128xf32, #tpu.memory_space<hbm>>
    %dma_wait3A_79 = arith.constant 0 : i32
    %dma_wait3A_80 = arith.constant 0 : i32
    %dma_wait3A_81 = tpu.memref_slice %arg2[%dma_wait3A_79, %dma_wait3A_80] : memref<10000x128xf32, #tpu.memory_space<hbm>> -> memref<80x128xf32, #tpu.memory_space<hbm>>
    tpu.wait_dma2 semaphore(%arg24 : memref<!tpu.dma_semaphore, #tpu.memory_space<semaphore_mem>>) src(%dma_wait3A_81 : memref<80x128xf32, #tpu.memory_space<hbm>>) dst(%arg16 : memref<80x128xf32, #tpu.memory_space<vmem>>)
    "tpu.region"() ({
      %run_scoped3A = tpu.sem_alloc : memref<!tpu.dma_semaphore, #tpu.memory_space<semaphore_mem>>
      %dma_start3A_124 = arith.constant 0 : i32
      %dma_start3A_125 = arith.constant 0 : i32
      %dma_start3A_126 = tpu.memref_slice %arg7[%dma_start3A_124, %dma_start3A_125] : memref<10240x128xf32, #tpu.memory_space<vmem_shared>> -> memref<10240x128xf32, #tpu.memory_space<vmem_shared>>
      tpu.enqueue_indirect_dma source(%arg16 : memref<80x128xf32, #tpu.memory_space<vmem>>) target(%dma_start3A_126 : memref<10240x128xf32, #tpu.memory_space<vmem_shared>>) offsets(%arg12 : memref<80xi32, #tpu.memory_space<vmem>>) semaphore(%run_scoped3A : memref<!tpu.dma_semaphore, #tpu.memory_space<semaphore_mem>>) {add = true}
      %dma_wait3A_127 = arith.constant 0 : i32
      %dma_wait3A_128 = arith.constant 0 : i32
      %dma_wait3A_129 = tpu.memref_slice %arg7[%dma_wait3A_127, %dma_wait3A_128] : memref<10240x128xf32, #tpu.memory_space<vmem_shared>> -> memref<10240x128xf32, #tpu.memory_space<vmem_shared>>
      tpu.wait_indirect_dma semaphore(%run_scoped3A : memref<!tpu.dma_semaphore, #tpu.memory_space<semaphore_mem>>) src(%arg16 : memref<80x128xf32, #tpu.memory_space<vmem>>) dst(%dma_wait3A_129 : memref<10240x128xf32, #tpu.memory_space<vmem_shared>>)
      tpu.yield
    }) : () -> ()
    %add3A_82 = arith.constant 9920 : i32
    %add3A_83 = arith.addi %mul3A_2, %add3A_82 : i32
    %dma_start3A_84 = tpu.memref_slice %arg4[%add3A_83] : memref<320000xi32, #tpu.memory_space<hbm>> -> memref<80xi32, #tpu.memory_space<hbm>>
    %dma_start3A_85 = tpu.memref_slice %arg4[%add3A_83] : memref<320000xi32, #tpu.memory_space<hbm>> -> memref<80xi32, #tpu.memory_space<hbm>>
    tpu.enqueue_dma source(%dma_start3A_85 : memref<80xi32, #tpu.memory_space<hbm>>) target(%arg8 : memref<80xi32, #tpu.memory_space<vmem>>) target_semaphore(%arg20 : memref<!tpu.dma_semaphore, #tpu.memory_space<semaphore_mem>>)
    %dma_start3A_86 = tpu.memref_slice %arg3[%add3A_83] : memref<320000xi32, #tpu.memory_space<hbm>> -> memref<80xi32, #tpu.memory_space<hbm>>
    %dma_start3A_87 = tpu.memref_slice %arg3[%add3A_83] : memref<320000xi32, #tpu.memory_space<hbm>> -> memref<80xi32, #tpu.memory_space<hbm>>
    tpu.enqueue_dma source(%dma_start3A_87 : memref<80xi32, #tpu.memory_space<hbm>>) target(%arg12 : memref<80xi32, #tpu.memory_space<vmem>>) target_semaphore(%arg20 : memref<!tpu.dma_semaphore, #tpu.memory_space<semaphore_mem>>)
    %dma_wait3A_88 = arith.constant 0 : i32
    %dma_wait3A_89 = tpu.memref_slice %arg4[%dma_wait3A_88] : memref<320000xi32, #tpu.memory_space<hbm>> -> memref<80xi32, #tpu.memory_space<hbm>>
    %dma_wait3A_90 = arith.constant 0 : i32
    %dma_wait3A_91 = tpu.memref_slice %arg4[%dma_wait3A_90] : memref<320000xi32, #tpu.memory_space<hbm>> -> memref<80xi32, #tpu.memory_space<hbm>>
    tpu.wait_dma2 semaphore(%arg20 : memref<!tpu.dma_semaphore, #tpu.memory_space<semaphore_mem>>) src(%dma_wait3A_91 : memref<80xi32, #tpu.memory_space<hbm>>) dst(%arg8 : memref<80xi32, #tpu.memory_space<vmem>>)
    %dma_wait3A_92 = arith.constant 0 : i32
    %dma_wait3A_93 = tpu.memref_slice %arg3[%dma_wait3A_92] : memref<320000xi32, #tpu.memory_space<hbm>> -> memref<80xi32, #tpu.memory_space<hbm>>
    %dma_wait3A_94 = arith.constant 0 : i32
    %dma_wait3A_95 = tpu.memref_slice %arg3[%dma_wait3A_94] : memref<320000xi32, #tpu.memory_space<hbm>> -> memref<80xi32, #tpu.memory_space<hbm>>
    tpu.wait_dma2 semaphore(%arg20 : memref<!tpu.dma_semaphore, #tpu.memory_space<semaphore_mem>>) src(%dma_wait3A_95 : memref<80xi32, #tpu.memory_space<hbm>>) dst(%arg12 : memref<80xi32, #tpu.memory_space<vmem>>)
    %dma_start3A_96 = arith.constant 0 : i32
    %dma_start3A_97 = arith.constant 0 : i32
    %dma_start3A_98 = tpu.memref_slice %arg2[%dma_start3A_96, %dma_start3A_97] : memref<10000x128xf32, #tpu.memory_space<hbm>> -> memref<10000x128xf32, #tpu.memory_space<hbm>>
    tpu.enqueue_indirect_dma source(%dma_start3A_98 : memref<10000x128xf32, #tpu.memory_space<hbm>>) target(%arg16 : memref<80x128xf32, #tpu.memory_space<vmem>>) offsets(%arg8 : memref<80xi32, #tpu.memory_space<vmem>>) semaphore(%arg24 : memref<!tpu.dma_semaphore, #tpu.memory_space<semaphore_mem>>)
    %dma_wait3A_99 = arith.constant 0 : i32
    %dma_wait3A_100 = arith.constant 0 : i32
    %dma_wait3A_101 = tpu.memref_slice %arg2[%dma_wait3A_99, %dma_wait3A_100] : memref<10000x128xf32, #tpu.memory_space<hbm>> -> memref<80x128xf32, #tpu.memory_space<hbm>>
    %dma_wait3A_102 = arith.constant 0 : i32
    %dma_wait3A_103 = arith.constant 0 : i32
    %dma_wait3A_104 = tpu.memref_slice %arg2[%dma_wait3A_102, %dma_wait3A_103] : memref<10000x128xf32, #tpu.memory_space<hbm>> -> memref<80x128xf32, #tpu.memory_space<hbm>>
    tpu.wait_dma2 semaphore(%arg25 : memref<!tpu.dma_semaphore, #tpu.memory_space<semaphore_mem>>) src(%dma_wait3A_104 : memref<80x128xf32, #tpu.memory_space<hbm>>) dst(%arg17 : memref<80x128xf32, #tpu.memory_space<vmem>>)
    "tpu.region"() ({
      %run_scoped3A = tpu.sem_alloc : memref<!tpu.dma_semaphore, #tpu.memory_space<semaphore_mem>>
      %dma_start3A_124 = arith.constant 0 : i32
      %dma_start3A_125 = arith.constant 0 : i32
      %dma_start3A_126 = tpu.memref_slice %arg7[%dma_start3A_124, %dma_start3A_125] : memref<10240x128xf32, #tpu.memory_space<vmem_shared>> -> memref<10240x128xf32, #tpu.memory_space<vmem_shared>>
      tpu.enqueue_indirect_dma source(%arg17 : memref<80x128xf32, #tpu.memory_space<vmem>>) target(%dma_start3A_126 : memref<10240x128xf32, #tpu.memory_space<vmem_shared>>) offsets(%arg13 : memref<80xi32, #tpu.memory_space<vmem>>) semaphore(%run_scoped3A : memref<!tpu.dma_semaphore, #tpu.memory_space<semaphore_mem>>) {add = true}
      %dma_wait3A_127 = arith.constant 0 : i32
      %dma_wait3A_128 = arith.constant 0 : i32
      %dma_wait3A_129 = tpu.memref_slice %arg7[%dma_wait3A_127, %dma_wait3A_128] : memref<10240x128xf32, #tpu.memory_space<vmem_shared>> -> memref<10240x128xf32, #tpu.memory_space<vmem_shared>>
      tpu.wait_indirect_dma semaphore(%run_scoped3A : memref<!tpu.dma_semaphore, #tpu.memory_space<semaphore_mem>>) src(%arg17 : memref<80x128xf32, #tpu.memory_space<vmem>>) dst(%dma_wait3A_129 : memref<10240x128xf32, #tpu.memory_space<vmem_shared>>)
      tpu.yield
    }) : () -> ()
    %dma_wait3A_105 = arith.constant 0 : i32
    %dma_wait3A_106 = arith.constant 0 : i32
    %dma_wait3A_107 = tpu.memref_slice %arg2[%dma_wait3A_105, %dma_wait3A_106] : memref<10000x128xf32, #tpu.memory_space<hbm>> -> memref<80x128xf32, #tpu.memory_space<hbm>>
    %dma_wait3A_108 = arith.constant 0 : i32
    %dma_wait3A_109 = arith.constant 0 : i32
    %dma_wait3A_110 = tpu.memref_slice %arg2[%dma_wait3A_108, %dma_wait3A_109] : memref<10000x128xf32, #tpu.memory_space<hbm>> -> memref<80x128xf32, #tpu.memory_space<hbm>>
    tpu.wait_dma2 semaphore(%arg26 : memref<!tpu.dma_semaphore, #tpu.memory_space<semaphore_mem>>) src(%dma_wait3A_110 : memref<80x128xf32, #tpu.memory_space<hbm>>) dst(%arg18 : memref<80x128xf32, #tpu.memory_space<vmem>>)
    "tpu.region"() ({
      %run_scoped3A = tpu.sem_alloc : memref<!tpu.dma_semaphore, #tpu.memory_space<semaphore_mem>>
      %dma_start3A_124 = arith.constant 0 : i32
      %dma_start3A_125 = arith.constant 0 : i32
      %dma_start3A_126 = tpu.memref_slice %arg7[%dma_start3A_124, %dma_start3A_125] : memref<10240x128xf32, #tpu.memory_space<vmem_shared>> -> memref<10240x128xf32, #tpu.memory_space<vmem_shared>>
      tpu.enqueue_indirect_dma source(%arg18 : memref<80x128xf32, #tpu.memory_space<vmem>>) target(%dma_start3A_126 : memref<10240x128xf32, #tpu.memory_space<vmem_shared>>) offsets(%arg14 : memref<80xi32, #tpu.memory_space<vmem>>) semaphore(%run_scoped3A : memref<!tpu.dma_semaphore, #tpu.memory_space<semaphore_mem>>) {add = true}
      %dma_wait3A_127 = arith.constant 0 : i32
      %dma_wait3A_128 = arith.constant 0 : i32
      %dma_wait3A_129 = tpu.memref_slice %arg7[%dma_wait3A_127, %dma_wait3A_128] : memref<10240x128xf32, #tpu.memory_space<vmem_shared>> -> memref<10240x128xf32, #tpu.memory_space<vmem_shared>>
      tpu.wait_indirect_dma semaphore(%run_scoped3A : memref<!tpu.dma_semaphore, #tpu.memory_space<semaphore_mem>>) src(%arg18 : memref<80x128xf32, #tpu.memory_space<vmem>>) dst(%dma_wait3A_129 : memref<10240x128xf32, #tpu.memory_space<vmem_shared>>)
      tpu.yield
    }) : () -> ()
    %dma_wait3A_111 = arith.constant 0 : i32
    %dma_wait3A_112 = arith.constant 0 : i32
    %dma_wait3A_113 = tpu.memref_slice %arg2[%dma_wait3A_111, %dma_wait3A_112] : memref<10000x128xf32, #tpu.memory_space<hbm>> -> memref<80x128xf32, #tpu.memory_space<hbm>>
    %dma_wait3A_114 = arith.constant 0 : i32
    %dma_wait3A_115 = arith.constant 0 : i32
    %dma_wait3A_116 = tpu.memref_slice %arg2[%dma_wait3A_114, %dma_wait3A_115] : memref<10000x128xf32, #tpu.memory_space<hbm>> -> memref<80x128xf32, #tpu.memory_space<hbm>>
    tpu.wait_dma2 semaphore(%arg27 : memref<!tpu.dma_semaphore, #tpu.memory_space<semaphore_mem>>) src(%dma_wait3A_116 : memref<80x128xf32, #tpu.memory_space<hbm>>) dst(%arg19 : memref<80x128xf32, #tpu.memory_space<vmem>>)
    "tpu.region"() ({
      %run_scoped3A = tpu.sem_alloc : memref<!tpu.dma_semaphore, #tpu.memory_space<semaphore_mem>>
      %dma_start3A_124 = arith.constant 0 : i32
      %dma_start3A_125 = arith.constant 0 : i32
      %dma_start3A_126 = tpu.memref_slice %arg7[%dma_start3A_124, %dma_start3A_125] : memref<10240x128xf32, #tpu.memory_space<vmem_shared>> -> memref<10240x128xf32, #tpu.memory_space<vmem_shared>>
      tpu.enqueue_indirect_dma source(%arg19 : memref<80x128xf32, #tpu.memory_space<vmem>>) target(%dma_start3A_126 : memref<10240x128xf32, #tpu.memory_space<vmem_shared>>) offsets(%arg15 : memref<80xi32, #tpu.memory_space<vmem>>) semaphore(%run_scoped3A : memref<!tpu.dma_semaphore, #tpu.memory_space<semaphore_mem>>) {add = true}
      %dma_wait3A_127 = arith.constant 0 : i32
      %dma_wait3A_128 = arith.constant 0 : i32
      %dma_wait3A_129 = tpu.memref_slice %arg7[%dma_wait3A_127, %dma_wait3A_128] : memref<10240x128xf32, #tpu.memory_space<vmem_shared>> -> memref<10240x128xf32, #tpu.memory_space<vmem_shared>>
      tpu.wait_indirect_dma semaphore(%run_scoped3A : memref<!tpu.dma_semaphore, #tpu.memory_space<semaphore_mem>>) src(%arg19 : memref<80x128xf32, #tpu.memory_space<vmem>>) dst(%dma_wait3A_129 : memref<10240x128xf32, #tpu.memory_space<vmem_shared>>)
      tpu.yield
    }) : () -> ()
    %dma_wait3A_117 = arith.constant 0 : i32
    %dma_wait3A_118 = arith.constant 0 : i32
    %dma_wait3A_119 = tpu.memref_slice %arg2[%dma_wait3A_117, %dma_wait3A_118] : memref<10000x128xf32, #tpu.memory_space<hbm>> -> memref<80x128xf32, #tpu.memory_space<hbm>>
    %dma_wait3A_120 = arith.constant 0 : i32
    %dma_wait3A_121 = arith.constant 0 : i32
    %dma_wait3A_122 = tpu.memref_slice %arg2[%dma_wait3A_120, %dma_wait3A_121] : memref<10000x128xf32, #tpu.memory_space<hbm>> -> memref<80x128xf32, #tpu.memory_space<hbm>>
    tpu.wait_dma2 semaphore(%arg24 : memref<!tpu.dma_semaphore, #tpu.memory_space<semaphore_mem>>) src(%dma_wait3A_122 : memref<80x128xf32, #tpu.memory_space<hbm>>) dst(%arg16 : memref<80x128xf32, #tpu.memory_space<vmem>>)
    "tpu.region"() ({
      %run_scoped3A = tpu.sem_alloc : memref<!tpu.dma_semaphore, #tpu.memory_space<semaphore_mem>>
      %dma_start3A_124 = arith.constant 0 : i32
      %dma_start3A_125 = arith.constant 0 : i32
      %dma_start3A_126 = tpu.memref_slice %arg7[%dma_start3A_124, %dma_start3A_125] : memref<10240x128xf32, #tpu.memory_space<vmem_shared>> -> memref<10240x128xf32, #tpu.memory_space<vmem_shared>>
      tpu.enqueue_indirect_dma source(%arg16 : memref<80x128xf32, #tpu.memory_space<vmem>>) target(%dma_start3A_126 : memref<10240x128xf32, #tpu.memory_space<vmem_shared>>) offsets(%arg12 : memref<80xi32, #tpu.memory_space<vmem>>) semaphore(%run_scoped3A : memref<!tpu.dma_semaphore, #tpu.memory_space<semaphore_mem>>) {add = true}
      %dma_wait3A_127 = arith.constant 0 : i32
      %dma_wait3A_128 = arith.constant 0 : i32
      %dma_wait3A_129 = tpu.memref_slice %arg7[%dma_wait3A_127, %dma_wait3A_128] : memref<10240x128xf32, #tpu.memory_space<vmem_shared>> -> memref<10240x128xf32, #tpu.memory_space<vmem_shared>>
      tpu.wait_indirect_dma semaphore(%run_scoped3A : memref<!tpu.dma_semaphore, #tpu.memory_space<semaphore_mem>>) src(%arg16 : memref<80x128xf32, #tpu.memory_space<vmem>>) dst(%dma_wait3A_129 : memref<10240x128xf32, #tpu.memory_space<vmem_shared>>)
      tpu.yield
    }) : () -> ()
    %barrier3A_123 = arith.constant 0 : index
    tpu.barrier barrier_id(%barrier3A_123)
    "tpu.region"() ({
      %run_scoped3A = tpu.sem_alloc : memref<!tpu.dma_semaphore, #tpu.memory_space<semaphore_mem>>
      %dma_start3A_124 = arith.constant 0 : i32
      %dma_start3A_125 = tpu.memref_slice %arg6[%arg0, %mul3A_4, %dma_start3A_124] : memref<2x10240x128xf32, #tpu.memory_space<hbm>> -> memref<1x640x128xf32, #tpu.memory_space<hbm>>
      %dma_start3A_126 = tpu.memref_squeeze %dma_start3A_125 : memref<1x640x128xf32, #tpu.memory_space<hbm>> -> memref<640x128xf32, #tpu.memory_space<hbm>>
      %dma_start3A_127 = arith.constant 0 : i32
      %dma_start3A_128 = tpu.memref_slice %arg7[%mul3A_4, %dma_start3A_127] : memref<10240x128xf32, #tpu.memory_space<vmem_shared>> -> memref<640x128xf32, #tpu.memory_space<vmem_shared>>
      tpu.enqueue_dma source(%dma_start3A_128 : memref<640x128xf32, #tpu.memory_space<vmem_shared>>) target(%dma_start3A_126 : memref<640x128xf32, #tpu.memory_space<hbm>>) target_semaphore(%run_scoped3A : memref<!tpu.dma_semaphore, #tpu.memory_space<semaphore_mem>>)
      %dma_wait3A_129 = arith.constant 0 : i32
      %dma_wait3A_130 = tpu.memref_slice %arg6[%arg0, %mul3A_4, %dma_wait3A_129] : memref<2x10240x128xf32, #tpu.memory_space<hbm>> -> memref<1x640x128xf32, #tpu.memory_space<hbm>>
      %dma_wait3A_131 = tpu.memref_squeeze %dma_wait3A_130 : memref<1x640x128xf32, #tpu.memory_space<hbm>> -> memref<640x128xf32, #tpu.memory_space<hbm>>
      %dma_wait3A_132 = arith.constant 0 : i32
      %dma_wait3A_133 = tpu.memref_slice %arg7[%mul3A_4, %dma_wait3A_132] : memref<10240x128xf32, #tpu.memory_space<vmem_shared>> -> memref<640x128xf32, #tpu.memory_space<vmem_shared>>
      tpu.wait_dma2 semaphore(%run_scoped3A : memref<!tpu.dma_semaphore, #tpu.memory_space<semaphore_mem>>) src(%dma_wait3A_133 : memref<640x128xf32, #tpu.memory_space<vmem_shared>>) dst(%dma_wait3A_131 : memref<640x128xf32, #tpu.memory_space<hbm>>)
      tpu.yield
    }) : () -> ()
    return
  }
}

#map = affine_map<(d0, d1) -> (0, 0)>
#map1 = affine_map<(d0, d1) -> (0)>
#map2 = affine_map<(d0, d1) -> (0, 0, 0)>
module attributes {stable_mosaic.version = 14 : i64} {
  func.func @seg_sum(%arg0: i32, %arg1: i32, %arg2: memref<320000x128xf32, #tpu.memory_space<hbm>>, %arg3: memref<320000xi32, #tpu.memory_space<hbm>>, %arg4: memref<320000xi32, #tpu.memory_space<hbm>>, %arg5: memref<2x10240x128xf32, #tpu.memory_space<hbm>>, %arg6: memref<2x10240x128xf32, #tpu.memory_space<hbm>>, %arg7: memref<10240x128xf32, #tpu.memory_space<vmem_shared>>, %arg8: memref<80xi32, #tpu.memory_space<vmem>>, %arg9: memref<80xi32, #tpu.memory_space<vmem>>, %arg10: memref<80xi32, #tpu.memory_space<vmem>>, %arg11: memref<80xi32, #tpu.memory_space<vmem>>, %arg12: memref<80xi32, #tpu.memory_space<vmem>>, %arg13: memref<80xi32, #tpu.memory_space<vmem>>, %arg14: memref<80xi32, #tpu.memory_space<vmem>>, %arg15: memref<80xi32, #tpu.memory_space<vmem>>, %arg16: memref<80x128xf32, #tpu.memory_space<vmem>>, %arg17: memref<80x128xf32, #tpu.memory_space<vmem>>, %arg18: memref<80x128xf32, #tpu.memory_space<vmem>>, %arg19: memref<80x128xf32, #tpu.memory_space<vmem>>, %arg20: memref<!tpu.dma_semaphore, #tpu.memory_space<semaphore_mem>>, %arg21: memref<!tpu.dma_semaphore, #tpu.memory_space<semaphore_mem>>, %arg22: memref<!tpu.dma_semaphore, #tpu.memory_space<semaphore_mem>>, %arg23: memref<!tpu.dma_semaphore, #tpu.memory_space<semaphore_mem>>, %arg24: memref<!tpu.dma_semaphore, #tpu.memory_space<semaphore_mem>>, %arg25: memref<!tpu.dma_semaphore, #tpu.memory_space<semaphore_mem>>, %arg26: memref<!tpu.dma_semaphore, #tpu.memory_space<semaphore_mem>>, %arg27: memref<!tpu.dma_semaphore, #tpu.memory_space<semaphore_mem>>) attributes {dimension_semantics = [#tpu.dimension_semantics<core_parallel>, #tpu.dimension_semantics<subcore_parallel>], iteration_bounds = array<i64: 2, 16>, scalar_prefetch = 0 : i64, scratch_operands = 21 : i64, tpu.core_type = #tpu.core_type<sc_vector_subcore>, window_params = [{transform_indices = #map}, {transform_indices = #map1}, {transform_indices = #map1}, {transform_indices = #map2}, {transform_indices = #map2}]} {
    %mul3A = arith.constant 16 : i32
    %mul3A_0 = arith.muli %arg0, %mul3A : i32
    %add3A = arith.addi %mul3A_0, %arg1 : i32
    %mul3A_1 = arith.constant 10000 : i32
    %mul3A_2 = arith.muli %add3A, %mul3A_1 : i32
    %mul3A_3 = arith.constant 640 : i32
    %mul3A_4 = arith.muli %arg1, %mul3A_3 : i32
    "tpu.region"() ({
      %run_scoped3A = tpu.sem_alloc : memref<!tpu.dma_semaphore, #tpu.memory_space<semaphore_mem>>
      %dma_start3A_109 = arith.constant 0 : i32
      %dma_start3A_110 = tpu.memref_slice %arg7[%mul3A_4, %dma_start3A_109] : memref<10240x128xf32, #tpu.memory_space<vmem_shared>> -> memref<640x128xf32, #tpu.memory_space<vmem_shared>>
      %dma_start3A_111 = arith.constant 0 : i32
      %dma_start3A_112 = tpu.memref_slice %arg5[%arg0, %mul3A_4, %dma_start3A_111] : memref<2x10240x128xf32, #tpu.memory_space<hbm>> -> memref<1x640x128xf32, #tpu.memory_space<hbm>>
      %dma_start3A_113 = tpu.memref_squeeze %dma_start3A_112 : memref<1x640x128xf32, #tpu.memory_space<hbm>> -> memref<640x128xf32, #tpu.memory_space<hbm>>
      tpu.enqueue_dma source(%dma_start3A_113 : memref<640x128xf32, #tpu.memory_space<hbm>>) target(%dma_start3A_110 : memref<640x128xf32, #tpu.memory_space<vmem_shared>>) target_semaphore(%run_scoped3A : memref<!tpu.dma_semaphore, #tpu.memory_space<semaphore_mem>>)
      %dma_wait3A_114 = arith.constant 0 : i32
      %dma_wait3A_115 = tpu.memref_slice %arg7[%mul3A_4, %dma_wait3A_114] : memref<10240x128xf32, #tpu.memory_space<vmem_shared>> -> memref<640x128xf32, #tpu.memory_space<vmem_shared>>
      %dma_wait3A_116 = arith.constant 0 : i32
      %dma_wait3A_117 = tpu.memref_slice %arg5[%arg0, %mul3A_4, %dma_wait3A_116] : memref<2x10240x128xf32, #tpu.memory_space<hbm>> -> memref<1x640x128xf32, #tpu.memory_space<hbm>>
      %dma_wait3A_118 = tpu.memref_squeeze %dma_wait3A_117 : memref<1x640x128xf32, #tpu.memory_space<hbm>> -> memref<640x128xf32, #tpu.memory_space<hbm>>
      tpu.wait_dma2 semaphore(%run_scoped3A : memref<!tpu.dma_semaphore, #tpu.memory_space<semaphore_mem>>) src(%dma_wait3A_118 : memref<640x128xf32, #tpu.memory_space<hbm>>) dst(%dma_wait3A_115 : memref<640x128xf32, #tpu.memory_space<vmem_shared>>)
      tpu.yield
    }) : () -> ()
    %barrier3A = arith.constant 0 : index
    tpu.barrier barrier_id(%barrier3A)
    %add3A_5 = arith.constant 0 : i32
    %add3A_6 = arith.addi %mul3A_2, %add3A_5 : i32
    %dma_start3A = tpu.memref_slice %arg3[%add3A_6] : memref<320000xi32, #tpu.memory_space<hbm>> -> memref<80xi32, #tpu.memory_space<hbm>>
    %dma_start3A_7 = tpu.memref_slice %arg3[%add3A_6] : memref<320000xi32, #tpu.memory_space<hbm>> -> memref<80xi32, #tpu.memory_space<hbm>>
    tpu.enqueue_dma source(%dma_start3A_7 : memref<80xi32, #tpu.memory_space<hbm>>) target(%arg12 : memref<80xi32, #tpu.memory_space<vmem>>) target_semaphore(%arg20 : memref<!tpu.dma_semaphore, #tpu.memory_space<semaphore_mem>>)
    %dma_wait3A = arith.constant 0 : i32
    %dma_wait3A_8 = tpu.memref_slice %arg3[%dma_wait3A] : memref<320000xi32, #tpu.memory_space<hbm>> -> memref<80xi32, #tpu.memory_space<hbm>>
    %dma_wait3A_9 = arith.constant 0 : i32
    %dma_wait3A_10 = tpu.memref_slice %arg3[%dma_wait3A_9] : memref<320000xi32, #tpu.memory_space<hbm>> -> memref<80xi32, #tpu.memory_space<hbm>>
    tpu.wait_dma2 semaphore(%arg20 : memref<!tpu.dma_semaphore, #tpu.memory_space<semaphore_mem>>) src(%dma_wait3A_10 : memref<80xi32, #tpu.memory_space<hbm>>) dst(%arg12 : memref<80xi32, #tpu.memory_space<vmem>>)
    %add3A_11 = arith.constant 0 : i32
    %add3A_12 = arith.addi %mul3A_2, %add3A_11 : i32
    %dma_start3A_13 = arith.constant 0 : i32
    %dma_start3A_14 = tpu.memref_slice %arg2[%add3A_12, %dma_start3A_13] : memref<320000x128xf32, #tpu.memory_space<hbm>> -> memref<80x128xf32, #tpu.memory_space<hbm>>
    %dma_start3A_15 = arith.constant 0 : i32
    %dma_start3A_16 = tpu.memref_slice %arg2[%add3A_12, %dma_start3A_15] : memref<320000x128xf32, #tpu.memory_space<hbm>> -> memref<80x128xf32, #tpu.memory_space<hbm>>
    tpu.enqueue_dma source(%dma_start3A_16 : memref<80x128xf32, #tpu.memory_space<hbm>>) target(%arg16 : memref<80x128xf32, #tpu.memory_space<vmem>>) target_semaphore(%arg24 : memref<!tpu.dma_semaphore, #tpu.memory_space<semaphore_mem>>)
    %add3A_17 = arith.constant 80 : i32
    %add3A_18 = arith.addi %mul3A_2, %add3A_17 : i32
    %dma_start3A_19 = tpu.memref_slice %arg3[%add3A_18] : memref<320000xi32, #tpu.memory_space<hbm>> -> memref<80xi32, #tpu.memory_space<hbm>>
    %dma_start3A_20 = tpu.memref_slice %arg3[%add3A_18] : memref<320000xi32, #tpu.memory_space<hbm>> -> memref<80xi32, #tpu.memory_space<hbm>>
    tpu.enqueue_dma source(%dma_start3A_20 : memref<80xi32, #tpu.memory_space<hbm>>) target(%arg13 : memref<80xi32, #tpu.memory_space<vmem>>) target_semaphore(%arg21 : memref<!tpu.dma_semaphore, #tpu.memory_space<semaphore_mem>>)
    %dma_wait3A_21 = arith.constant 0 : i32
    %dma_wait3A_22 = tpu.memref_slice %arg3[%dma_wait3A_21] : memref<320000xi32, #tpu.memory_space<hbm>> -> memref<80xi32, #tpu.memory_space<hbm>>
    %dma_wait3A_23 = arith.constant 0 : i32
    %dma_wait3A_24 = tpu.memref_slice %arg3[%dma_wait3A_23] : memref<320000xi32, #tpu.memory_space<hbm>> -> memref<80xi32, #tpu.memory_space<hbm>>
    tpu.wait_dma2 semaphore(%arg21 : memref<!tpu.dma_semaphore, #tpu.memory_space<semaphore_mem>>) src(%dma_wait3A_24 : memref<80xi32, #tpu.memory_space<hbm>>) dst(%arg13 : memref<80xi32, #tpu.memory_space<vmem>>)
    %add3A_25 = arith.constant 80 : i32
    %add3A_26 = arith.addi %mul3A_2, %add3A_25 : i32
    %dma_start3A_27 = arith.constant 0 : i32
    %dma_start3A_28 = tpu.memref_slice %arg2[%add3A_26, %dma_start3A_27] : memref<320000x128xf32, #tpu.memory_space<hbm>> -> memref<80x128xf32, #tpu.memory_space<hbm>>
    %dma_start3A_29 = arith.constant 0 : i32
    %dma_start3A_30 = tpu.memref_slice %arg2[%add3A_26, %dma_start3A_29] : memref<320000x128xf32, #tpu.memory_space<hbm>> -> memref<80x128xf32, #tpu.memory_space<hbm>>
    tpu.enqueue_dma source(%dma_start3A_30 : memref<80x128xf32, #tpu.memory_space<hbm>>) target(%arg17 : memref<80x128xf32, #tpu.memory_space<vmem>>) target_semaphore(%arg25 : memref<!tpu.dma_semaphore, #tpu.memory_space<semaphore_mem>>)
    %add3A_31 = arith.constant 160 : i32
    %add3A_32 = arith.addi %mul3A_2, %add3A_31 : i32
    %dma_start3A_33 = tpu.memref_slice %arg3[%add3A_32] : memref<320000xi32, #tpu.memory_space<hbm>> -> memref<80xi32, #tpu.memory_space<hbm>>
    %dma_start3A_34 = tpu.memref_slice %arg3[%add3A_32] : memref<320000xi32, #tpu.memory_space<hbm>> -> memref<80xi32, #tpu.memory_space<hbm>>
    tpu.enqueue_dma source(%dma_start3A_34 : memref<80xi32, #tpu.memory_space<hbm>>) target(%arg14 : memref<80xi32, #tpu.memory_space<vmem>>) target_semaphore(%arg22 : memref<!tpu.dma_semaphore, #tpu.memory_space<semaphore_mem>>)
    %dma_wait3A_35 = arith.constant 0 : i32
    %dma_wait3A_36 = tpu.memref_slice %arg3[%dma_wait3A_35] : memref<320000xi32, #tpu.memory_space<hbm>> -> memref<80xi32, #tpu.memory_space<hbm>>
    %dma_wait3A_37 = arith.constant 0 : i32
    %dma_wait3A_38 = tpu.memref_slice %arg3[%dma_wait3A_37] : memref<320000xi32, #tpu.memory_space<hbm>> -> memref<80xi32, #tpu.memory_space<hbm>>
    tpu.wait_dma2 semaphore(%arg22 : memref<!tpu.dma_semaphore, #tpu.memory_space<semaphore_mem>>) src(%dma_wait3A_38 : memref<80xi32, #tpu.memory_space<hbm>>) dst(%arg14 : memref<80xi32, #tpu.memory_space<vmem>>)
    %add3A_39 = arith.constant 160 : i32
    %add3A_40 = arith.addi %mul3A_2, %add3A_39 : i32
    %dma_start3A_41 = arith.constant 0 : i32
    %dma_start3A_42 = tpu.memref_slice %arg2[%add3A_40, %dma_start3A_41] : memref<320000x128xf32, #tpu.memory_space<hbm>> -> memref<80x128xf32, #tpu.memory_space<hbm>>
    %dma_start3A_43 = arith.constant 0 : i32
    %dma_start3A_44 = tpu.memref_slice %arg2[%add3A_40, %dma_start3A_43] : memref<320000x128xf32, #tpu.memory_space<hbm>> -> memref<80x128xf32, #tpu.memory_space<hbm>>
    tpu.enqueue_dma source(%dma_start3A_44 : memref<80x128xf32, #tpu.memory_space<hbm>>) target(%arg18 : memref<80x128xf32, #tpu.memory_space<vmem>>) target_semaphore(%arg26 : memref<!tpu.dma_semaphore, #tpu.memory_space<semaphore_mem>>)
    %add3A_45 = arith.constant 240 : i32
    %add3A_46 = arith.addi %mul3A_2, %add3A_45 : i32
    %dma_start3A_47 = tpu.memref_slice %arg3[%add3A_46] : memref<320000xi32, #tpu.memory_space<hbm>> -> memref<80xi32, #tpu.memory_space<hbm>>
    %dma_start3A_48 = tpu.memref_slice %arg3[%add3A_46] : memref<320000xi32, #tpu.memory_space<hbm>> -> memref<80xi32, #tpu.memory_space<hbm>>
    tpu.enqueue_dma source(%dma_start3A_48 : memref<80xi32, #tpu.memory_space<hbm>>) target(%arg15 : memref<80xi32, #tpu.memory_space<vmem>>) target_semaphore(%arg23 : memref<!tpu.dma_semaphore, #tpu.memory_space<semaphore_mem>>)
    %scan3A = arith.constant 0 : i32
    %scan3A_49 = arith.constant 0 : i32
    %scan3A_50 = arith.constant 30 : i32
    %scan3A_51 = arith.addi %scan3A_49, %scan3A_50 : i32
    %scan3A_52 = arith.constant 1 : i32
    scf.for %scan3A_109 = %scan3A_49 to %scan3A_51 step %scan3A_52  : i32 {
      %mul3A_110 = arith.constant 4 : i32
      %mul3A_111 = arith.muli %mul3A_110, %scan3A_109 : i32
      %dma_wait3A_112 = arith.constant 0 : i32
      %dma_wait3A_113 = tpu.memref_slice %arg3[%dma_wait3A_112] : memref<320000xi32, #tpu.memory_space<hbm>> -> memref<80xi32, #tpu.memory_space<hbm>>
      %dma_wait3A_114 = arith.constant 0 : i32
      %dma_wait3A_115 = tpu.memref_slice %arg3[%dma_wait3A_114] : memref<320000xi32, #tpu.memory_space<hbm>> -> memref<80xi32, #tpu.memory_space<hbm>>
      tpu.wait_dma2 semaphore(%arg23 : memref<!tpu.dma_semaphore, #tpu.memory_space<semaphore_mem>>) src(%dma_wait3A_115 : memref<80xi32, #tpu.memory_space<hbm>>) dst(%arg15 : memref<80xi32, #tpu.memory_space<vmem>>)
      %add3A_116 = arith.constant 3 : i32
      %add3A_117 = arith.addi %mul3A_111, %add3A_116 : i32
      %mul3A_118 = arith.constant 80 : i32
      %mul3A_119 = arith.muli %add3A_117, %mul3A_118 : i32
      %add3A_120 = arith.addi %mul3A_2, %mul3A_119 : i32
      %dma_start3A_121 = arith.constant 0 : i32
      %dma_start3A_122 = tpu.memref_slice %arg2[%add3A_120, %dma_start3A_121] : memref<320000x128xf32, #tpu.memory_space<hbm>> -> memref<80x128xf32, #tpu.memory_space<hbm>>
      %dma_start3A_123 = arith.constant 0 : i32
      %dma_start3A_124 = tpu.memref_slice %arg2[%add3A_120, %dma_start3A_123] : memref<320000x128xf32, #tpu.memory_space<hbm>> -> memref<80x128xf32, #tpu.memory_space<hbm>>
      tpu.enqueue_dma source(%dma_start3A_124 : memref<80x128xf32, #tpu.memory_space<hbm>>) target(%arg19 : memref<80x128xf32, #tpu.memory_space<vmem>>) target_semaphore(%arg27 : memref<!tpu.dma_semaphore, #tpu.memory_space<semaphore_mem>>)
      %dma_wait3A_125 = arith.constant 0 : i32
      %dma_wait3A_126 = arith.constant 0 : i32
      %dma_wait3A_127 = tpu.memref_slice %arg2[%dma_wait3A_125, %dma_wait3A_126] : memref<320000x128xf32, #tpu.memory_space<hbm>> -> memref<80x128xf32, #tpu.memory_space<hbm>>
      %dma_wait3A_128 = arith.constant 0 : i32
      %dma_wait3A_129 = arith.constant 0 : i32
      %dma_wait3A_130 = tpu.memref_slice %arg2[%dma_wait3A_128, %dma_wait3A_129] : memref<320000x128xf32, #tpu.memory_space<hbm>> -> memref<80x128xf32, #tpu.memory_space<hbm>>
      tpu.wait_dma2 semaphore(%arg24 : memref<!tpu.dma_semaphore, #tpu.memory_space<semaphore_mem>>) src(%dma_wait3A_130 : memref<80x128xf32, #tpu.memory_space<hbm>>) dst(%arg16 : memref<80x128xf32, #tpu.memory_space<vmem>>)
      "tpu.region"() ({
        %run_scoped3A = tpu.sem_alloc : memref<!tpu.dma_semaphore, #tpu.memory_space<semaphore_mem>>
        %dma_start3A_225 = arith.constant 0 : i32
        %dma_start3A_226 = arith.constant 0 : i32
        %dma_start3A_227 = tpu.memref_slice %arg7[%dma_start3A_225, %dma_start3A_226] : memref<10240x128xf32, #tpu.memory_space<vmem_shared>> -> memref<10240x128xf32, #tpu.memory_space<vmem_shared>>
        tpu.enqueue_indirect_dma source(%arg16 : memref<80x128xf32, #tpu.memory_space<vmem>>) target(%dma_start3A_227 : memref<10240x128xf32, #tpu.memory_space<vmem_shared>>) offsets(%arg12 : memref<80xi32, #tpu.memory_space<vmem>>) semaphore(%run_scoped3A : memref<!tpu.dma_semaphore, #tpu.memory_space<semaphore_mem>>) {add = true}
        %dma_wait3A_228 = arith.constant 0 : i32
        %dma_wait3A_229 = arith.constant 0 : i32
        %dma_wait3A_230 = tpu.memref_slice %arg7[%dma_wait3A_228, %dma_wait3A_229] : memref<10240x128xf32, #tpu.memory_space<vmem_shared>> -> memref<10240x128xf32, #tpu.memory_space<vmem_shared>>
        tpu.wait_indirect_dma semaphore(%run_scoped3A : memref<!tpu.dma_semaphore, #tpu.memory_space<semaphore_mem>>) src(%arg16 : memref<80x128xf32, #tpu.memory_space<vmem>>) dst(%dma_wait3A_230 : memref<10240x128xf32, #tpu.memory_space<vmem_shared>>)
        tpu.yield
      }) : () -> ()
      %add3A_131 = arith.constant 4 : i32
      %add3A_132 = arith.addi %mul3A_111, %add3A_131 : i32
      %lt3A = arith.constant 125 : i32
      %lt3A_133 = arith.cmpi slt, %add3A_132, %lt3A : i32
      %convert_element_type3A = arith.extui %lt3A_133 : i1 to i32
      %cond3A = arith.constant 0 : i32
      %cond3A_134 = arith.cmpi ne, %convert_element_type3A, %cond3A : i32
      scf.if %cond3A_134 {
        %mul3A_225 = arith.constant 80 : i32
        %mul3A_226 = arith.muli %add3A_132, %mul3A_225 : i32
        %add3A_227 = arith.addi %mul3A_2, %mul3A_226 : i32
        %dma_start3A_228 = tpu.memref_slice %arg3[%add3A_227] : memref<320000xi32, #tpu.memory_space<hbm>> -> memref<80xi32, #tpu.memory_space<hbm>>
        %dma_start3A_229 = tpu.memref_slice %arg3[%add3A_227] : memref<320000xi32, #tpu.memory_space<hbm>> -> memref<80xi32, #tpu.memory_space<hbm>>
        tpu.enqueue_dma source(%dma_start3A_229 : memref<80xi32, #tpu.memory_space<hbm>>) target(%arg12 : memref<80xi32, #tpu.memory_space<vmem>>) target_semaphore(%arg20 : memref<!tpu.dma_semaphore, #tpu.memory_space<semaphore_mem>>)
      } else {
      }
      %mul3A_135 = arith.constant 4 : i32
      %mul3A_136 = arith.muli %mul3A_135, %scan3A_109 : i32
      %add3A_137 = arith.constant 1 : i32
      %add3A_138 = arith.addi %mul3A_136, %add3A_137 : i32
      %dma_wait3A_139 = arith.constant 0 : i32
      %dma_wait3A_140 = tpu.memref_slice %arg3[%dma_wait3A_139] : memref<320000xi32, #tpu.memory_space<hbm>> -> memref<80xi32, #tpu.memory_space<hbm>>
      %dma_wait3A_141 = arith.constant 0 : i32
      %dma_wait3A_142 = tpu.memref_slice %arg3[%dma_wait3A_141] : memref<320000xi32, #tpu.memory_space<hbm>> -> memref<80xi32, #tpu.memory_space<hbm>>
      tpu.wait_dma2 semaphore(%arg20 : memref<!tpu.dma_semaphore, #tpu.memory_space<semaphore_mem>>) src(%dma_wait3A_142 : memref<80xi32, #tpu.memory_space<hbm>>) dst(%arg12 : memref<80xi32, #tpu.memory_space<vmem>>)
      %add3A_143 = arith.constant 3 : i32
      %add3A_144 = arith.addi %add3A_138, %add3A_143 : i32
      %mul3A_145 = arith.constant 80 : i32
      %mul3A_146 = arith.muli %add3A_144, %mul3A_145 : i32
      %add3A_147 = arith.addi %mul3A_2, %mul3A_146 : i32
      %dma_start3A_148 = arith.constant 0 : i32
      %dma_start3A_149 = tpu.memref_slice %arg2[%add3A_147, %dma_start3A_148] : memref<320000x128xf32, #tpu.memory_space<hbm>> -> memref<80x128xf32, #tpu.memory_space<hbm>>
      %dma_start3A_150 = arith.constant 0 : i32
      %dma_start3A_151 = tpu.memref_slice %arg2[%add3A_147, %dma_start3A_150] : memref<320000x128xf32, #tpu.memory_space<hbm>> -> memref<80x128xf32, #tpu.memory_space<hbm>>
      tpu.enqueue_dma source(%dma_start3A_151 : memref<80x128xf32, #tpu.memory_space<hbm>>) target(%arg16 : memref<80x128xf32, #tpu.memory_space<vmem>>) target_semaphore(%arg24 : memref<!tpu.dma_semaphore, #tpu.memory_space<semaphore_mem>>)
      %dma_wait3A_152 = arith.constant 0 : i32
      %dma_wait3A_153 = arith.constant 0 : i32
      %dma_wait3A_154 = tpu.memref_slice %arg2[%dma_wait3A_152, %dma_wait3A_153] : memref<320000x128xf32, #tpu.memory_space<hbm>> -> memref<80x128xf32, #tpu.memory_space<hbm>>
      %dma_wait3A_155 = arith.constant 0 : i32
      %dma_wait3A_156 = arith.constant 0 : i32
      %dma_wait3A_157 = tpu.memref_slice %arg2[%dma_wait3A_155, %dma_wait3A_156] : memref<320000x128xf32, #tpu.memory_space<hbm>> -> memref<80x128xf32, #tpu.memory_space<hbm>>
      tpu.wait_dma2 semaphore(%arg25 : memref<!tpu.dma_semaphore, #tpu.memory_space<semaphore_mem>>) src(%dma_wait3A_157 : memref<80x128xf32, #tpu.memory_space<hbm>>) dst(%arg17 : memref<80x128xf32, #tpu.memory_space<vmem>>)
      "tpu.region"() ({
        %run_scoped3A = tpu.sem_alloc : memref<!tpu.dma_semaphore, #tpu.memory_space<semaphore_mem>>
        %dma_start3A_225 = arith.constant 0 : i32
        %dma_start3A_226 = arith.constant 0 : i32
        %dma_start3A_227 = tpu.memref_slice %arg7[%dma_start3A_225, %dma_start3A_226] : memref<10240x128xf32, #tpu.memory_space<vmem_shared>> -> memref<10240x128xf32, #tpu.memory_space<vmem_shared>>
        tpu.enqueue_indirect_dma source(%arg17 : memref<80x128xf32, #tpu.memory_space<vmem>>) target(%dma_start3A_227 : memref<10240x128xf32, #tpu.memory_space<vmem_shared>>) offsets(%arg13 : memref<80xi32, #tpu.memory_space<vmem>>) semaphore(%run_scoped3A : memref<!tpu.dma_semaphore, #tpu.memory_space<semaphore_mem>>) {add = true}
        %dma_wait3A_228 = arith.constant 0 : i32
        %dma_wait3A_229 = arith.constant 0 : i32
        %dma_wait3A_230 = tpu.memref_slice %arg7[%dma_wait3A_228, %dma_wait3A_229] : memref<10240x128xf32, #tpu.memory_space<vmem_shared>> -> memref<10240x128xf32, #tpu.memory_space<vmem_shared>>
        tpu.wait_indirect_dma semaphore(%run_scoped3A : memref<!tpu.dma_semaphore, #tpu.memory_space<semaphore_mem>>) src(%arg17 : memref<80x128xf32, #tpu.memory_space<vmem>>) dst(%dma_wait3A_230 : memref<10240x128xf32, #tpu.memory_space<vmem_shared>>)
        tpu.yield
      }) : () -> ()
      %add3A_158 = arith.constant 4 : i32
      %add3A_159 = arith.addi %add3A_138, %add3A_158 : i32
      %lt3A_160 = arith.constant 125 : i32
      %lt3A_161 = arith.cmpi slt, %add3A_159, %lt3A_160 : i32
      %convert_element_type3A_162 = arith.extui %lt3A_161 : i1 to i32
      %cond3A_163 = arith.constant 0 : i32
      %cond3A_164 = arith.cmpi ne, %convert_element_type3A_162, %cond3A_163 : i32
      scf.if %cond3A_164 {
        %mul3A_225 = arith.constant 80 : i32
        %mul3A_226 = arith.muli %add3A_159, %mul3A_225 : i32
        %add3A_227 = arith.addi %mul3A_2, %mul3A_226 : i32
        %dma_start3A_228 = tpu.memref_slice %arg3[%add3A_227] : memref<320000xi32, #tpu.memory_space<hbm>> -> memref<80xi32, #tpu.memory_space<hbm>>
        %dma_start3A_229 = tpu.memref_slice %arg3[%add3A_227] : memref<320000xi32, #tpu.memory_space<hbm>> -> memref<80xi32, #tpu.memory_space<hbm>>
        tpu.enqueue_dma source(%dma_start3A_229 : memref<80xi32, #tpu.memory_space<hbm>>) target(%arg13 : memref<80xi32, #tpu.memory_space<vmem>>) target_semaphore(%arg21 : memref<!tpu.dma_semaphore, #tpu.memory_space<semaphore_mem>>)
      } else {
      }
      %mul3A_165 = arith.constant 4 : i32
      %mul3A_166 = arith.muli %mul3A_165, %scan3A_109 : i32
      %add3A_167 = arith.constant 2 : i32
      %add3A_168 = arith.addi %mul3A_166, %add3A_167 : i32
      %dma_wait3A_169 = arith.constant 0 : i32
      %dma_wait3A_170 = tpu.memref_slice %arg3[%dma_wait3A_169] : memref<320000xi32, #tpu.memory_space<hbm>> -> memref<80xi32, #tpu.memory_space<hbm>>
      %dma_wait3A_171 = arith.constant 0 : i32
      %dma_wait3A_172 = tpu.memref_slice %arg3[%dma_wait3A_171] : memref<320000xi32, #tpu.memory_space<hbm>> -> memref<80xi32, #tpu.memory_space<hbm>>
      tpu.wait_dma2 semaphore(%arg21 : memref<!tpu.dma_semaphore, #tpu.memory_space<semaphore_mem>>) src(%dma_wait3A_172 : memref<80xi32, #tpu.memory_space<hbm>>) dst(%arg13 : memref<80xi32, #tpu.memory_space<vmem>>)
      %add3A_173 = arith.constant 3 : i32
      %add3A_174 = arith.addi %add3A_168, %add3A_173 : i32
      %mul3A_175 = arith.constant 80 : i32
      %mul3A_176 = arith.muli %add3A_174, %mul3A_175 : i32
      %add3A_177 = arith.addi %mul3A_2, %mul3A_176 : i32
      %dma_start3A_178 = arith.constant 0 : i32
      %dma_start3A_179 = tpu.memref_slice %arg2[%add3A_177, %dma_start3A_178] : memref<320000x128xf32, #tpu.memory_space<hbm>> -> memref<80x128xf32, #tpu.memory_space<hbm>>
      %dma_start3A_180 = arith.constant 0 : i32
      %dma_start3A_181 = tpu.memref_slice %arg2[%add3A_177, %dma_start3A_180] : memref<320000x128xf32, #tpu.memory_space<hbm>> -> memref<80x128xf32, #tpu.memory_space<hbm>>
      tpu.enqueue_dma source(%dma_start3A_181 : memref<80x128xf32, #tpu.memory_space<hbm>>) target(%arg17 : memref<80x128xf32, #tpu.memory_space<vmem>>) target_semaphore(%arg25 : memref<!tpu.dma_semaphore, #tpu.memory_space<semaphore_mem>>)
      %dma_wait3A_182 = arith.constant 0 : i32
      %dma_wait3A_183 = arith.constant 0 : i32
      %dma_wait3A_184 = tpu.memref_slice %arg2[%dma_wait3A_182, %dma_wait3A_183] : memref<320000x128xf32, #tpu.memory_space<hbm>> -> memref<80x128xf32, #tpu.memory_space<hbm>>
      %dma_wait3A_185 = arith.constant 0 : i32
      %dma_wait3A_186 = arith.constant 0 : i32
      %dma_wait3A_187 = tpu.memref_slice %arg2[%dma_wait3A_185, %dma_wait3A_186] : memref<320000x128xf32, #tpu.memory_space<hbm>> -> memref<80x128xf32, #tpu.memory_space<hbm>>
      tpu.wait_dma2 semaphore(%arg26 : memref<!tpu.dma_semaphore, #tpu.memory_space<semaphore_mem>>) src(%dma_wait3A_187 : memref<80x128xf32, #tpu.memory_space<hbm>>) dst(%arg18 : memref<80x128xf32, #tpu.memory_space<vmem>>)
      "tpu.region"() ({
        %run_scoped3A = tpu.sem_alloc : memref<!tpu.dma_semaphore, #tpu.memory_space<semaphore_mem>>
        %dma_start3A_225 = arith.constant 0 : i32
        %dma_start3A_226 = arith.constant 0 : i32
        %dma_start3A_227 = tpu.memref_slice %arg7[%dma_start3A_225, %dma_start3A_226] : memref<10240x128xf32, #tpu.memory_space<vmem_shared>> -> memref<10240x128xf32, #tpu.memory_space<vmem_shared>>
        tpu.enqueue_indirect_dma source(%arg18 : memref<80x128xf32, #tpu.memory_space<vmem>>) target(%dma_start3A_227 : memref<10240x128xf32, #tpu.memory_space<vmem_shared>>) offsets(%arg14 : memref<80xi32, #tpu.memory_space<vmem>>) semaphore(%run_scoped3A : memref<!tpu.dma_semaphore, #tpu.memory_space<semaphore_mem>>) {add = true}
        %dma_wait3A_228 = arith.constant 0 : i32
        %dma_wait3A_229 = arith.constant 0 : i32
        %dma_wait3A_230 = tpu.memref_slice %arg7[%dma_wait3A_228, %dma_wait3A_229] : memref<10240x128xf32, #tpu.memory_space<vmem_shared>> -> memref<10240x128xf32, #tpu.memory_space<vmem_shared>>
        tpu.wait_indirect_dma semaphore(%run_scoped3A : memref<!tpu.dma_semaphore, #tpu.memory_space<semaphore_mem>>) src(%arg18 : memref<80x128xf32, #tpu.memory_space<vmem>>) dst(%dma_wait3A_230 : memref<10240x128xf32, #tpu.memory_space<vmem_shared>>)
        tpu.yield
      }) : () -> ()
      %add3A_188 = arith.constant 4 : i32
      %add3A_189 = arith.addi %add3A_168, %add3A_188 : i32
      %lt3A_190 = arith.constant 125 : i32
      %lt3A_191 = arith.cmpi slt, %add3A_189, %lt3A_190 : i32
      %convert_element_type3A_192 = arith.extui %lt3A_191 : i1 to i32
      %cond3A_193 = arith.constant 0 : i32
      %cond3A_194 = arith.cmpi ne, %convert_element_type3A_192, %cond3A_193 : i32
      scf.if %cond3A_194 {
        %mul3A_225 = arith.constant 80 : i32
        %mul3A_226 = arith.muli %add3A_189, %mul3A_225 : i32
        %add3A_227 = arith.addi %mul3A_2, %mul3A_226 : i32
        %dma_start3A_228 = tpu.memref_slice %arg3[%add3A_227] : memref<320000xi32, #tpu.memory_space<hbm>> -> memref<80xi32, #tpu.memory_space<hbm>>
        %dma_start3A_229 = tpu.memref_slice %arg3[%add3A_227] : memref<320000xi32, #tpu.memory_space<hbm>> -> memref<80xi32, #tpu.memory_space<hbm>>
        tpu.enqueue_dma source(%dma_start3A_229 : memref<80xi32, #tpu.memory_space<hbm>>) target(%arg14 : memref<80xi32, #tpu.memory_space<vmem>>) target_semaphore(%arg22 : memref<!tpu.dma_semaphore, #tpu.memory_space<semaphore_mem>>)
      } else {
      }
      %mul3A_195 = arith.constant 4 : i32
      %mul3A_196 = arith.muli %mul3A_195, %scan3A_109 : i32
      %add3A_197 = arith.constant 3 : i32
      %add3A_198 = arith.addi %mul3A_196, %add3A_197 : i32
      %dma_wait3A_199 = arith.constant 0 : i32
      %dma_wait3A_200 = tpu.memref_slice %arg3[%dma_wait3A_199] : memref<320000xi32, #tpu.memory_space<hbm>> -> memref<80xi32, #tpu.memory_space<hbm>>
      %dma_wait3A_201 = arith.constant 0 : i32
      %dma_wait3A_202 = tpu.memref_slice %arg3[%dma_wait3A_201] : memref<320000xi32, #tpu.memory_space<hbm>> -> memref<80xi32, #tpu.memory_space<hbm>>
      tpu.wait_dma2 semaphore(%arg22 : memref<!tpu.dma_semaphore, #tpu.memory_space<semaphore_mem>>) src(%dma_wait3A_202 : memref<80xi32, #tpu.memory_space<hbm>>) dst(%arg14 : memref<80xi32, #tpu.memory_space<vmem>>)
      %add3A_203 = arith.constant 3 : i32
      %add3A_204 = arith.addi %add3A_198, %add3A_203 : i32
      %mul3A_205 = arith.constant 80 : i32
      %mul3A_206 = arith.muli %add3A_204, %mul3A_205 : i32
      %add3A_207 = arith.addi %mul3A_2, %mul3A_206 : i32
      %dma_start3A_208 = arith.constant 0 : i32
      %dma_start3A_209 = tpu.memref_slice %arg2[%add3A_207, %dma_start3A_208] : memref<320000x128xf32, #tpu.memory_space<hbm>> -> memref<80x128xf32, #tpu.memory_space<hbm>>
      %dma_start3A_210 = arith.constant 0 : i32
      %dma_start3A_211 = tpu.memref_slice %arg2[%add3A_207, %dma_start3A_210] : memref<320000x128xf32, #tpu.memory_space<hbm>> -> memref<80x128xf32, #tpu.memory_space<hbm>>
      tpu.enqueue_dma source(%dma_start3A_211 : memref<80x128xf32, #tpu.memory_space<hbm>>) target(%arg18 : memref<80x128xf32, #tpu.memory_space<vmem>>) target_semaphore(%arg26 : memref<!tpu.dma_semaphore, #tpu.memory_space<semaphore_mem>>)
      %dma_wait3A_212 = arith.constant 0 : i32
      %dma_wait3A_213 = arith.constant 0 : i32
      %dma_wait3A_214 = tpu.memref_slice %arg2[%dma_wait3A_212, %dma_wait3A_213] : memref<320000x128xf32, #tpu.memory_space<hbm>> -> memref<80x128xf32, #tpu.memory_space<hbm>>
      %dma_wait3A_215 = arith.constant 0 : i32
      %dma_wait3A_216 = arith.constant 0 : i32
      %dma_wait3A_217 = tpu.memref_slice %arg2[%dma_wait3A_215, %dma_wait3A_216] : memref<320000x128xf32, #tpu.memory_space<hbm>> -> memref<80x128xf32, #tpu.memory_space<hbm>>
      tpu.wait_dma2 semaphore(%arg27 : memref<!tpu.dma_semaphore, #tpu.memory_space<semaphore_mem>>) src(%dma_wait3A_217 : memref<80x128xf32, #tpu.memory_space<hbm>>) dst(%arg19 : memref<80x128xf32, #tpu.memory_space<vmem>>)
      "tpu.region"() ({
        %run_scoped3A = tpu.sem_alloc : memref<!tpu.dma_semaphore, #tpu.memory_space<semaphore_mem>>
        %dma_start3A_225 = arith.constant 0 : i32
        %dma_start3A_226 = arith.constant 0 : i32
        %dma_start3A_227 = tpu.memref_slice %arg7[%dma_start3A_225, %dma_start3A_226] : memref<10240x128xf32, #tpu.memory_space<vmem_shared>> -> memref<10240x128xf32, #tpu.memory_space<vmem_shared>>
        tpu.enqueue_indirect_dma source(%arg19 : memref<80x128xf32, #tpu.memory_space<vmem>>) target(%dma_start3A_227 : memref<10240x128xf32, #tpu.memory_space<vmem_shared>>) offsets(%arg15 : memref<80xi32, #tpu.memory_space<vmem>>) semaphore(%run_scoped3A : memref<!tpu.dma_semaphore, #tpu.memory_space<semaphore_mem>>) {add = true}
        %dma_wait3A_228 = arith.constant 0 : i32
        %dma_wait3A_229 = arith.constant 0 : i32
        %dma_wait3A_230 = tpu.memref_slice %arg7[%dma_wait3A_228, %dma_wait3A_229] : memref<10240x128xf32, #tpu.memory_space<vmem_shared>> -> memref<10240x128xf32, #tpu.memory_space<vmem_shared>>
        tpu.wait_indirect_dma semaphore(%run_scoped3A : memref<!tpu.dma_semaphore, #tpu.memory_space<semaphore_mem>>) src(%arg19 : memref<80x128xf32, #tpu.memory_space<vmem>>) dst(%dma_wait3A_230 : memref<10240x128xf32, #tpu.memory_space<vmem_shared>>)
        tpu.yield
      }) : () -> ()
      %add3A_218 = arith.constant 4 : i32
      %add3A_219 = arith.addi %add3A_198, %add3A_218 : i32
      %lt3A_220 = arith.constant 125 : i32
      %lt3A_221 = arith.cmpi slt, %add3A_219, %lt3A_220 : i32
      %convert_element_type3A_222 = arith.extui %lt3A_221 : i1 to i32
      %cond3A_223 = arith.constant 0 : i32
      %cond3A_224 = arith.cmpi ne, %convert_element_type3A_222, %cond3A_223 : i32
      scf.if %cond3A_224 {
        %mul3A_225 = arith.constant 80 : i32
        %mul3A_226 = arith.muli %add3A_219, %mul3A_225 : i32
        %add3A_227 = arith.addi %mul3A_2, %mul3A_226 : i32
        %dma_start3A_228 = tpu.memref_slice %arg3[%add3A_227] : memref<320000xi32, #tpu.memory_space<hbm>> -> memref<80xi32, #tpu.memory_space<hbm>>
        %dma_start3A_229 = tpu.memref_slice %arg3[%add3A_227] : memref<320000xi32, #tpu.memory_space<hbm>> -> memref<80xi32, #tpu.memory_space<hbm>>
        tpu.enqueue_dma source(%dma_start3A_229 : memref<80xi32, #tpu.memory_space<hbm>>) target(%arg15 : memref<80xi32, #tpu.memory_space<vmem>>) target_semaphore(%arg23 : memref<!tpu.dma_semaphore, #tpu.memory_space<semaphore_mem>>)
      } else {
      }
    }
    %scan3A_53 = arith.constant 30 : i32
    %dma_wait3A_54 = arith.constant 0 : i32
    %dma_wait3A_55 = tpu.memref_slice %arg3[%dma_wait3A_54] : memref<320000xi32, #tpu.memory_space<hbm>> -> memref<80xi32, #tpu.memory_space<hbm>>
    %dma_wait3A_56 = arith.constant 0 : i32
    %dma_wait3A_57 = tpu.memref_slice %arg3[%dma_wait3A_56] : memref<320000xi32, #tpu.memory_space<hbm>> -> memref<80xi32, #tpu.memory_space<hbm>>
    tpu.wait_dma2 semaphore(%arg23 : memref<!tpu.dma_semaphore, #tpu.memory_space<semaphore_mem>>) src(%dma_wait3A_57 : memref<80xi32, #tpu.memory_space<hbm>>) dst(%arg15 : memref<80xi32, #tpu.memory_space<vmem>>)
    %add3A_58 = arith.constant 9840 : i32
    %add3A_59 = arith.addi %mul3A_2, %add3A_58 : i32
    %dma_start3A_60 = arith.constant 0 : i32
    %dma_start3A_61 = tpu.memref_slice %arg2[%add3A_59, %dma_start3A_60] : memref<320000x128xf32, #tpu.memory_space<hbm>> -> memref<80x128xf32, #tpu.memory_space<hbm>>
    %dma_start3A_62 = arith.constant 0 : i32
    %dma_start3A_63 = tpu.memref_slice %arg2[%add3A_59, %dma_start3A_62] : memref<320000x128xf32, #tpu.memory_space<hbm>> -> memref<80x128xf32, #tpu.memory_space<hbm>>
    tpu.enqueue_dma source(%dma_start3A_63 : memref<80x128xf32, #tpu.memory_space<hbm>>) target(%arg19 : memref<80x128xf32, #tpu.memory_space<vmem>>) target_semaphore(%arg27 : memref<!tpu.dma_semaphore, #tpu.memory_space<semaphore_mem>>)
    %dma_wait3A_64 = arith.constant 0 : i32
    %dma_wait3A_65 = arith.constant 0 : i32
    %dma_wait3A_66 = tpu.memref_slice %arg2[%dma_wait3A_64, %dma_wait3A_65] : memref<320000x128xf32, #tpu.memory_space<hbm>> -> memref<80x128xf32, #tpu.memory_space<hbm>>
    %dma_wait3A_67 = arith.constant 0 : i32
    %dma_wait3A_68 = arith.constant 0 : i32
    %dma_wait3A_69 = tpu.memref_slice %arg2[%dma_wait3A_67, %dma_wait3A_68] : memref<320000x128xf32, #tpu.memory_space<hbm>> -> memref<80x128xf32, #tpu.memory_space<hbm>>
    tpu.wait_dma2 semaphore(%arg24 : memref<!tpu.dma_semaphore, #tpu.memory_space<semaphore_mem>>) src(%dma_wait3A_69 : memref<80x128xf32, #tpu.memory_space<hbm>>) dst(%arg16 : memref<80x128xf32, #tpu.memory_space<vmem>>)
    "tpu.region"() ({
      %run_scoped3A = tpu.sem_alloc : memref<!tpu.dma_semaphore, #tpu.memory_space<semaphore_mem>>
      %dma_start3A_109 = arith.constant 0 : i32
      %dma_start3A_110 = arith.constant 0 : i32
      %dma_start3A_111 = tpu.memref_slice %arg7[%dma_start3A_109, %dma_start3A_110] : memref<10240x128xf32, #tpu.memory_space<vmem_shared>> -> memref<10240x128xf32, #tpu.memory_space<vmem_shared>>
      tpu.enqueue_indirect_dma source(%arg16 : memref<80x128xf32, #tpu.memory_space<vmem>>) target(%dma_start3A_111 : memref<10240x128xf32, #tpu.memory_space<vmem_shared>>) offsets(%arg12 : memref<80xi32, #tpu.memory_space<vmem>>) semaphore(%run_scoped3A : memref<!tpu.dma_semaphore, #tpu.memory_space<semaphore_mem>>) {add = true}
      %dma_wait3A_112 = arith.constant 0 : i32
      %dma_wait3A_113 = arith.constant 0 : i32
      %dma_wait3A_114 = tpu.memref_slice %arg7[%dma_wait3A_112, %dma_wait3A_113] : memref<10240x128xf32, #tpu.memory_space<vmem_shared>> -> memref<10240x128xf32, #tpu.memory_space<vmem_shared>>
      tpu.wait_indirect_dma semaphore(%run_scoped3A : memref<!tpu.dma_semaphore, #tpu.memory_space<semaphore_mem>>) src(%arg16 : memref<80x128xf32, #tpu.memory_space<vmem>>) dst(%dma_wait3A_114 : memref<10240x128xf32, #tpu.memory_space<vmem_shared>>)
      tpu.yield
    }) : () -> ()
    %add3A_70 = arith.constant 9920 : i32
    %add3A_71 = arith.addi %mul3A_2, %add3A_70 : i32
    %dma_start3A_72 = tpu.memref_slice %arg3[%add3A_71] : memref<320000xi32, #tpu.memory_space<hbm>> -> memref<80xi32, #tpu.memory_space<hbm>>
    %dma_start3A_73 = tpu.memref_slice %arg3[%add3A_71] : memref<320000xi32, #tpu.memory_space<hbm>> -> memref<80xi32, #tpu.memory_space<hbm>>
    tpu.enqueue_dma source(%dma_start3A_73 : memref<80xi32, #tpu.memory_space<hbm>>) target(%arg12 : memref<80xi32, #tpu.memory_space<vmem>>) target_semaphore(%arg20 : memref<!tpu.dma_semaphore, #tpu.memory_space<semaphore_mem>>)
    %dma_wait3A_74 = arith.constant 0 : i32
    %dma_wait3A_75 = tpu.memref_slice %arg3[%dma_wait3A_74] : memref<320000xi32, #tpu.memory_space<hbm>> -> memref<80xi32, #tpu.memory_space<hbm>>
    %dma_wait3A_76 = arith.constant 0 : i32
    %dma_wait3A_77 = tpu.memref_slice %arg3[%dma_wait3A_76] : memref<320000xi32, #tpu.memory_space<hbm>> -> memref<80xi32, #tpu.memory_space<hbm>>
    tpu.wait_dma2 semaphore(%arg20 : memref<!tpu.dma_semaphore, #tpu.memory_space<semaphore_mem>>) src(%dma_wait3A_77 : memref<80xi32, #tpu.memory_space<hbm>>) dst(%arg12 : memref<80xi32, #tpu.memory_space<vmem>>)
    %add3A_78 = arith.constant 9920 : i32
    %add3A_79 = arith.addi %mul3A_2, %add3A_78 : i32
    %dma_start3A_80 = arith.constant 0 : i32
    %dma_start3A_81 = tpu.memref_slice %arg2[%add3A_79, %dma_start3A_80] : memref<320000x128xf32, #tpu.memory_space<hbm>> -> memref<80x128xf32, #tpu.memory_space<hbm>>
    %dma_start3A_82 = arith.constant 0 : i32
    %dma_start3A_83 = tpu.memref_slice %arg2[%add3A_79, %dma_start3A_82] : memref<320000x128xf32, #tpu.memory_space<hbm>> -> memref<80x128xf32, #tpu.memory_space<hbm>>
    tpu.enqueue_dma source(%dma_start3A_83 : memref<80x128xf32, #tpu.memory_space<hbm>>) target(%arg16 : memref<80x128xf32, #tpu.memory_space<vmem>>) target_semaphore(%arg24 : memref<!tpu.dma_semaphore, #tpu.memory_space<semaphore_mem>>)
    %dma_wait3A_84 = arith.constant 0 : i32
    %dma_wait3A_85 = arith.constant 0 : i32
    %dma_wait3A_86 = tpu.memref_slice %arg2[%dma_wait3A_84, %dma_wait3A_85] : memref<320000x128xf32, #tpu.memory_space<hbm>> -> memref<80x128xf32, #tpu.memory_space<hbm>>
    %dma_wait3A_87 = arith.constant 0 : i32
    %dma_wait3A_88 = arith.constant 0 : i32
    %dma_wait3A_89 = tpu.memref_slice %arg2[%dma_wait3A_87, %dma_wait3A_88] : memref<320000x128xf32, #tpu.memory_space<hbm>> -> memref<80x128xf32, #tpu.memory_space<hbm>>
    tpu.wait_dma2 semaphore(%arg25 : memref<!tpu.dma_semaphore, #tpu.memory_space<semaphore_mem>>) src(%dma_wait3A_89 : memref<80x128xf32, #tpu.memory_space<hbm>>) dst(%arg17 : memref<80x128xf32, #tpu.memory_space<vmem>>)
    "tpu.region"() ({
      %run_scoped3A = tpu.sem_alloc : memref<!tpu.dma_semaphore, #tpu.memory_space<semaphore_mem>>
      %dma_start3A_109 = arith.constant 0 : i32
      %dma_start3A_110 = arith.constant 0 : i32
      %dma_start3A_111 = tpu.memref_slice %arg7[%dma_start3A_109, %dma_start3A_110] : memref<10240x128xf32, #tpu.memory_space<vmem_shared>> -> memref<10240x128xf32, #tpu.memory_space<vmem_shared>>
      tpu.enqueue_indirect_dma source(%arg17 : memref<80x128xf32, #tpu.memory_space<vmem>>) target(%dma_start3A_111 : memref<10240x128xf32, #tpu.memory_space<vmem_shared>>) offsets(%arg13 : memref<80xi32, #tpu.memory_space<vmem>>) semaphore(%run_scoped3A : memref<!tpu.dma_semaphore, #tpu.memory_space<semaphore_mem>>) {add = true}
      %dma_wait3A_112 = arith.constant 0 : i32
      %dma_wait3A_113 = arith.constant 0 : i32
      %dma_wait3A_114 = tpu.memref_slice %arg7[%dma_wait3A_112, %dma_wait3A_113] : memref<10240x128xf32, #tpu.memory_space<vmem_shared>> -> memref<10240x128xf32, #tpu.memory_space<vmem_shared>>
      tpu.wait_indirect_dma semaphore(%run_scoped3A : memref<!tpu.dma_semaphore, #tpu.memory_space<semaphore_mem>>) src(%arg17 : memref<80x128xf32, #tpu.memory_space<vmem>>) dst(%dma_wait3A_114 : memref<10240x128xf32, #tpu.memory_space<vmem_shared>>)
      tpu.yield
    }) : () -> ()
    %dma_wait3A_90 = arith.constant 0 : i32
    %dma_wait3A_91 = arith.constant 0 : i32
    %dma_wait3A_92 = tpu.memref_slice %arg2[%dma_wait3A_90, %dma_wait3A_91] : memref<320000x128xf32, #tpu.memory_space<hbm>> -> memref<80x128xf32, #tpu.memory_space<hbm>>
    %dma_wait3A_93 = arith.constant 0 : i32
    %dma_wait3A_94 = arith.constant 0 : i32
    %dma_wait3A_95 = tpu.memref_slice %arg2[%dma_wait3A_93, %dma_wait3A_94] : memref<320000x128xf32, #tpu.memory_space<hbm>> -> memref<80x128xf32, #tpu.memory_space<hbm>>
    tpu.wait_dma2 semaphore(%arg26 : memref<!tpu.dma_semaphore, #tpu.memory_space<semaphore_mem>>) src(%dma_wait3A_95 : memref<80x128xf32, #tpu.memory_space<hbm>>) dst(%arg18 : memref<80x128xf32, #tpu.memory_space<vmem>>)
    "tpu.region"() ({
      %run_scoped3A = tpu.sem_alloc : memref<!tpu.dma_semaphore, #tpu.memory_space<semaphore_mem>>
      %dma_start3A_109 = arith.constant 0 : i32
      %dma_start3A_110 = arith.constant 0 : i32
      %dma_start3A_111 = tpu.memref_slice %arg7[%dma_start3A_109, %dma_start3A_110] : memref<10240x128xf32, #tpu.memory_space<vmem_shared>> -> memref<10240x128xf32, #tpu.memory_space<vmem_shared>>
      tpu.enqueue_indirect_dma source(%arg18 : memref<80x128xf32, #tpu.memory_space<vmem>>) target(%dma_start3A_111 : memref<10240x128xf32, #tpu.memory_space<vmem_shared>>) offsets(%arg14 : memref<80xi32, #tpu.memory_space<vmem>>) semaphore(%run_scoped3A : memref<!tpu.dma_semaphore, #tpu.memory_space<semaphore_mem>>) {add = true}
      %dma_wait3A_112 = arith.constant 0 : i32
      %dma_wait3A_113 = arith.constant 0 : i32
      %dma_wait3A_114 = tpu.memref_slice %arg7[%dma_wait3A_112, %dma_wait3A_113] : memref<10240x128xf32, #tpu.memory_space<vmem_shared>> -> memref<10240x128xf32, #tpu.memory_space<vmem_shared>>
      tpu.wait_indirect_dma semaphore(%run_scoped3A : memref<!tpu.dma_semaphore, #tpu.memory_space<semaphore_mem>>) src(%arg18 : memref<80x128xf32, #tpu.memory_space<vmem>>) dst(%dma_wait3A_114 : memref<10240x128xf32, #tpu.memory_space<vmem_shared>>)
      tpu.yield
    }) : () -> ()
    %dma_wait3A_96 = arith.constant 0 : i32
    %dma_wait3A_97 = arith.constant 0 : i32
    %dma_wait3A_98 = tpu.memref_slice %arg2[%dma_wait3A_96, %dma_wait3A_97] : memref<320000x128xf32, #tpu.memory_space<hbm>> -> memref<80x128xf32, #tpu.memory_space<hbm>>
    %dma_wait3A_99 = arith.constant 0 : i32
    %dma_wait3A_100 = arith.constant 0 : i32
    %dma_wait3A_101 = tpu.memref_slice %arg2[%dma_wait3A_99, %dma_wait3A_100] : memref<320000x128xf32, #tpu.memory_space<hbm>> -> memref<80x128xf32, #tpu.memory_space<hbm>>
    tpu.wait_dma2 semaphore(%arg27 : memref<!tpu.dma_semaphore, #tpu.memory_space<semaphore_mem>>) src(%dma_wait3A_101 : memref<80x128xf32, #tpu.memory_space<hbm>>) dst(%arg19 : memref<80x128xf32, #tpu.memory_space<vmem>>)
    "tpu.region"() ({
      %run_scoped3A = tpu.sem_alloc : memref<!tpu.dma_semaphore, #tpu.memory_space<semaphore_mem>>
      %dma_start3A_109 = arith.constant 0 : i32
      %dma_start3A_110 = arith.constant 0 : i32
      %dma_start3A_111 = tpu.memref_slice %arg7[%dma_start3A_109, %dma_start3A_110] : memref<10240x128xf32, #tpu.memory_space<vmem_shared>> -> memref<10240x128xf32, #tpu.memory_space<vmem_shared>>
      tpu.enqueue_indirect_dma source(%arg19 : memref<80x128xf32, #tpu.memory_space<vmem>>) target(%dma_start3A_111 : memref<10240x128xf32, #tpu.memory_space<vmem_shared>>) offsets(%arg15 : memref<80xi32, #tpu.memory_space<vmem>>) semaphore(%run_scoped3A : memref<!tpu.dma_semaphore, #tpu.memory_space<semaphore_mem>>) {add = true}
      %dma_wait3A_112 = arith.constant 0 : i32
      %dma_wait3A_113 = arith.constant 0 : i32
      %dma_wait3A_114 = tpu.memref_slice %arg7[%dma_wait3A_112, %dma_wait3A_113] : memref<10240x128xf32, #tpu.memory_space<vmem_shared>> -> memref<10240x128xf32, #tpu.memory_space<vmem_shared>>
      tpu.wait_indirect_dma semaphore(%run_scoped3A : memref<!tpu.dma_semaphore, #tpu.memory_space<semaphore_mem>>) src(%arg19 : memref<80x128xf32, #tpu.memory_space<vmem>>) dst(%dma_wait3A_114 : memref<10240x128xf32, #tpu.memory_space<vmem_shared>>)
      tpu.yield
    }) : () -> ()
    %dma_wait3A_102 = arith.constant 0 : i32
    %dma_wait3A_103 = arith.constant 0 : i32
    %dma_wait3A_104 = tpu.memref_slice %arg2[%dma_wait3A_102, %dma_wait3A_103] : memref<320000x128xf32, #tpu.memory_space<hbm>> -> memref<80x128xf32, #tpu.memory_space<hbm>>
    %dma_wait3A_105 = arith.constant 0 : i32
    %dma_wait3A_106 = arith.constant 0 : i32
    %dma_wait3A_107 = tpu.memref_slice %arg2[%dma_wait3A_105, %dma_wait3A_106] : memref<320000x128xf32, #tpu.memory_space<hbm>> -> memref<80x128xf32, #tpu.memory_space<hbm>>
    tpu.wait_dma2 semaphore(%arg24 : memref<!tpu.dma_semaphore, #tpu.memory_space<semaphore_mem>>) src(%dma_wait3A_107 : memref<80x128xf32, #tpu.memory_space<hbm>>) dst(%arg16 : memref<80x128xf32, #tpu.memory_space<vmem>>)
    "tpu.region"() ({
      %run_scoped3A = tpu.sem_alloc : memref<!tpu.dma_semaphore, #tpu.memory_space<semaphore_mem>>
      %dma_start3A_109 = arith.constant 0 : i32
      %dma_start3A_110 = arith.constant 0 : i32
      %dma_start3A_111 = tpu.memref_slice %arg7[%dma_start3A_109, %dma_start3A_110] : memref<10240x128xf32, #tpu.memory_space<vmem_shared>> -> memref<10240x128xf32, #tpu.memory_space<vmem_shared>>
      tpu.enqueue_indirect_dma source(%arg16 : memref<80x128xf32, #tpu.memory_space<vmem>>) target(%dma_start3A_111 : memref<10240x128xf32, #tpu.memory_space<vmem_shared>>) offsets(%arg12 : memref<80xi32, #tpu.memory_space<vmem>>) semaphore(%run_scoped3A : memref<!tpu.dma_semaphore, #tpu.memory_space<semaphore_mem>>) {add = true}
      %dma_wait3A_112 = arith.constant 0 : i32
      %dma_wait3A_113 = arith.constant 0 : i32
      %dma_wait3A_114 = tpu.memref_slice %arg7[%dma_wait3A_112, %dma_wait3A_113] : memref<10240x128xf32, #tpu.memory_space<vmem_shared>> -> memref<10240x128xf32, #tpu.memory_space<vmem_shared>>
      tpu.wait_indirect_dma semaphore(%run_scoped3A : memref<!tpu.dma_semaphore, #tpu.memory_space<semaphore_mem>>) src(%arg16 : memref<80x128xf32, #tpu.memory_space<vmem>>) dst(%dma_wait3A_114 : memref<10240x128xf32, #tpu.memory_space<vmem_shared>>)
      tpu.yield
    }) : () -> ()
    %barrier3A_108 = arith.constant 0 : index
    tpu.barrier barrier_id(%barrier3A_108)
    "tpu.region"() ({
      %run_scoped3A = tpu.sem_alloc : memref<!tpu.dma_semaphore, #tpu.memory_space<semaphore_mem>>
      %dma_start3A_109 = arith.constant 0 : i32
      %dma_start3A_110 = tpu.memref_slice %arg6[%arg0, %mul3A_4, %dma_start3A_109] : memref<2x10240x128xf32, #tpu.memory_space<hbm>> -> memref<1x640x128xf32, #tpu.memory_space<hbm>>
      %dma_start3A_111 = tpu.memref_squeeze %dma_start3A_110 : memref<1x640x128xf32, #tpu.memory_space<hbm>> -> memref<640x128xf32, #tpu.memory_space<hbm>>
      %dma_start3A_112 = arith.constant 0 : i32
      %dma_start3A_113 = tpu.memref_slice %arg7[%mul3A_4, %dma_start3A_112] : memref<10240x128xf32, #tpu.memory_space<vmem_shared>> -> memref<640x128xf32, #tpu.memory_space<vmem_shared>>
      tpu.enqueue_dma source(%dma_start3A_113 : memref<640x128xf32, #tpu.memory_space<vmem_shared>>) target(%dma_start3A_111 : memref<640x128xf32, #tpu.memory_space<hbm>>) target_semaphore(%run_scoped3A : memref<!tpu.dma_semaphore, #tpu.memory_space<semaphore_mem>>)
      %dma_wait3A_114 = arith.constant 0 : i32
      %dma_wait3A_115 = tpu.memref_slice %arg6[%arg0, %mul3A_4, %dma_wait3A_114] : memref<2x10240x128xf32, #tpu.memory_space<hbm>> -> memref<1x640x128xf32, #tpu.memory_space<hbm>>
      %dma_wait3A_116 = tpu.memref_squeeze %dma_wait3A_115 : memref<1x640x128xf32, #tpu.memory_space<hbm>> -> memref<640x128xf32, #tpu.memory_space<hbm>>
      %dma_wait3A_117 = arith.constant 0 : i32
      %dma_wait3A_118 = tpu.memref_slice %arg7[%mul3A_4, %dma_wait3A_117] : memref<10240x128xf32, #tpu.memory_space<vmem_shared>> -> memref<640x128xf32, #tpu.memory_space<vmem_shared>>
      tpu.wait_dma2 semaphore(%run_scoped3A : memref<!tpu.dma_semaphore, #tpu.memory_space<semaphore_mem>>) src(%dma_wait3A_118 : memref<640x128xf32, #tpu.memory_space<vmem_shared>>) dst(%dma_wait3A_116 : memref<640x128xf32, #tpu.memory_space<hbm>>)
      tpu.yield
    }) : () -> ()
    return
  }
}

module attributes {stable_mosaic.version = 14 : i64} {
  func.func @_mm_body(%arg0: i32, %arg1: memref<1000x128xf32, #tpu.memory_space<vmem>>, %arg2: memref<128x128xf32, #tpu.memory_space<vmem>>, %arg3: memref<1000x128xf32, #tpu.memory_space<vmem>>) attributes {dimension_semantics = [#tpu.dimension_semantics<arbitrary>], iteration_bounds = array<i64: 10>, scalar_prefetch = 0 : i64, scratch_operands = 0 : i64, tpu.core_type = #tpu.core_type<tc>, window_params = [{transform_indices = @transform_0, window_bounds = array<i64: 1000, 128>}, {pipeline_mode = #tpu.pipeline_mode<synchronous>, transform_indices = @transform_1, window_bounds = array<i64: 128, 128>}, {transform_indices = @transform_2, window_bounds = array<i64: 1000, 128>}]} {
    %get3A = arith.constant 0 : index
    %get3A_0 = arith.constant 0 : index
    %get3A_1 = vector.load %arg1[%get3A, %get3A_0] : memref<1000x128xf32, #tpu.memory_space<vmem>>, vector<1000x128xf32>
    %get3A_2 = arith.constant 0 : index
    %get3A_3 = arith.constant 0 : index
    %get3A_4 = vector.load %arg2[%get3A_2, %get3A_3] : memref<128x128xf32, #tpu.memory_space<vmem>>, vector<128x128xf32>
    %dot_general3A = arith.constant dense<0.000000e+00> : vector<1000x128xf32>
    %dot_general3A_5 = tpu.matmul %get3A_1, %get3A_4, %dot_general3A {dimension_numbers = #tpu.dot_dimension_numbers<[1], [0], [0], [1], [0, 0, 1, 1], [], []>, transpose_lhs_hint = false} : vector<1000x128xf32>, vector<128x128xf32>, vector<1000x128xf32> -> vector<1000x128xf32>
    %swap3A = arith.constant 0 : index
    %swap3A_6 = arith.constant 0 : index
    %swap3A_7 = vector.load %arg3[%swap3A, %swap3A_6] : memref<1000x128xf32, #tpu.memory_space<vmem>>, vector<1000x128xf32>
    tpu.vector_store %arg3[%swap3A, %swap3A_6], %dot_general3A_5 {strides = array<i32>} : memref<1000x128xf32, #tpu.memory_space<vmem>>, vector<1000x128xf32>,
    return
  }
  func.func @transform_0(%arg0: i32) -> (i32, i32) {
    %c0_i32 = arith.constant 0 : i32
    %c0_i32_0 = arith.constant 0 : i32
    return %arg0, %c0_i32 : i32, i32
  }
  func.func @transform_1(%arg0: i32) -> (i32, i32) {
    %c0_i32 = arith.constant 0 : i32
    %c0_i32_0 = arith.constant 0 : i32
    %c0_i32_1 = arith.constant 0 : i32
    return %c0_i32, %c0_i32_0 : i32, i32
  }
  func.func @transform_2(%arg0: i32) -> (i32, i32) {
    %c0_i32 = arith.constant 0 : i32
    %c0_i32_0 = arith.constant 0 : i32
    return %arg0, %c0_i32 : i32, i32
  }
}

module attributes {stable_mosaic.version = 14 : i64} {
  func.func @_mm_body(%arg0: i32, %arg1: memref<2000x16xf32, #tpu.memory_space<vmem>>, %arg2: memref<16x128xf32, #tpu.memory_space<vmem>>, %arg3: memref<2000x128xf32, #tpu.memory_space<vmem>>) attributes {dimension_semantics = [#tpu.dimension_semantics<arbitrary>], iteration_bounds = array<i64: 160>, scalar_prefetch = 0 : i64, scratch_operands = 0 : i64, tpu.core_type = #tpu.core_type<tc>, window_params = [{transform_indices = @transform_0, window_bounds = array<i64: 2000, 16>}, {pipeline_mode = #tpu.pipeline_mode<synchronous>, transform_indices = @transform_1, window_bounds = array<i64: 16, 128>}, {transform_indices = @transform_2, window_bounds = array<i64: 2000, 128>}]} {
    %get3A = arith.constant 0 : index
    %get3A_0 = arith.constant 0 : index
    %get3A_1 = vector.load %arg1[%get3A, %get3A_0] : memref<2000x16xf32, #tpu.memory_space<vmem>>, vector<2000x16xf32>
    %get3A_2 = arith.constant 0 : index
    %get3A_3 = arith.constant 0 : index
    %get3A_4 = vector.load %arg2[%get3A_2, %get3A_3] : memref<16x128xf32, #tpu.memory_space<vmem>>, vector<16x128xf32>
    %dot_general3A = arith.constant dense<0.000000e+00> : vector<2000x128xf32>
    %dot_general3A_5 = tpu.matmul %get3A_1, %get3A_4, %dot_general3A {dimension_numbers = #tpu.dot_dimension_numbers<[1], [0], [0], [1], [0, 0, 1, 1], [], []>, transpose_lhs_hint = false} : vector<2000x16xf32>, vector<16x128xf32>, vector<2000x128xf32> -> vector<2000x128xf32>
    %swap3A = arith.constant 0 : index
    %swap3A_6 = arith.constant 0 : index
    %swap3A_7 = vector.load %arg3[%swap3A, %swap3A_6] : memref<2000x128xf32, #tpu.memory_space<vmem>>, vector<2000x128xf32>
    tpu.vector_store %arg3[%swap3A, %swap3A_6], %dot_general3A_5 {strides = array<i32>} : memref<2000x128xf32, #tpu.memory_space<vmem>>, vector<2000x128xf32>,
    return
  }
  func.func @transform_0(%arg0: i32) -> (i32, i32) {
    %c0_i32 = arith.constant 0 : i32
    %c0_i32_0 = arith.constant 0 : i32
    return %arg0, %c0_i32 : i32, i32
  }
  func.func @transform_1(%arg0: i32) -> (i32, i32) {
    %c0_i32 = arith.constant 0 : i32
    %c0_i32_0 = arith.constant 0 : i32
    %c0_i32_1 = arith.constant 0 : i32
    return %c0_i32, %c0_i32_0 : i32, i32
  }
  func.func @transform_2(%arg0: i32) -> (i32, i32) {
    %c0_i32 = arith.constant 0 : i32
    %c0_i32_0 = arith.constant 0 : i32
    return %arg0, %c0_i32 : i32, i32
  }
}

module attributes {stable_mosaic.version = 14 : i64} {
  func.func @_tc_tail(%arg0: i32, %arg1: memref<1000x128xf32, #tpu.memory_space<vmem>>, %arg2: memref<1x1000x128xf32, #tpu.memory_space<vmem>>, %arg3: memref<1x1000x128xf32, #tpu.memory_space<vmem>>, %arg4: memref<128x128xf32, #tpu.memory_space<vmem>>, %arg5: memref<128x128xf32, #tpu.memory_space<vmem>>, %arg6: memref<1x128xf32, #tpu.memory_space<vmem>>, %arg7: memref<128x128xf32, #tpu.memory_space<vmem>>, %arg8: memref<1x128xf32, #tpu.memory_space<vmem>>, %arg9: memref<128x128xf32, #tpu.memory_space<vmem>>, %arg10: memref<1x128xf32, #tpu.memory_space<vmem>>, %arg11: memref<1x128xf32, #tpu.memory_space<vmem>>, %arg12: memref<1000x128xf32, #tpu.memory_space<vmem>>) attributes {dimension_semantics = [#tpu.dimension_semantics<arbitrary>], iteration_bounds = array<i64: 10>, scalar_prefetch = 0 : i64, scratch_operands = 0 : i64, tpu.core_type = #tpu.core_type<tc>, window_params = [{transform_indices = @transform_0, window_bounds = array<i64: 1000, 128>}, {transform_indices = @transform_1, window_bounds = array<i64: 1, 1000, 128>}, {transform_indices = @transform_2, window_bounds = array<i64: 1, 1000, 128>}, {pipeline_mode = #tpu.pipeline_mode<synchronous>, transform_indices = @transform_3, window_bounds = array<i64: 128, 128>}, {pipeline_mode = #tpu.pipeline_mode<synchronous>, transform_indices = @transform_4, window_bounds = array<i64: 128, 128>}, {pipeline_mode = #tpu.pipeline_mode<synchronous>, transform_indices = @transform_5, window_bounds = array<i64: 1, 128>}, {pipeline_mode = #tpu.pipeline_mode<synchronous>, transform_indices = @transform_6, window_bounds = array<i64: 128, 128>}, {pipeline_mode = #tpu.pipeline_mode<synchronous>, transform_indices = @transform_7, window_bounds = array<i64: 1, 128>}, {pipeline_mode = #tpu.pipeline_mode<synchronous>, transform_indices = @transform_8, window_bounds = array<i64: 128, 128>}, {pipeline_mode = #tpu.pipeline_mode<synchronous>, transform_indices = @transform_9, window_bounds = array<i64: 1, 128>}, {pipeline_mode = #tpu.pipeline_mode<synchronous>, transform_indices = @transform_10, window_bounds = array<i64: 1, 128>}, {transform_indices = @transform_11, window_bounds = array<i64: 1000, 128>}]} {
    %get3A = arith.constant 0 : index
    %get3A_0 = arith.constant 0 : index
    %get3A_1 = vector.load %arg1[%get3A, %get3A_0] : memref<1000x128xf32, #tpu.memory_space<vmem>>, vector<1000x128xf32>
    %get3A_2 = arith.constant 0 : index
    %get3A_3 = arith.constant 0 : index
    %get3A_4 = arith.constant 0 : index
    %get3A_5 = vector.load %arg2[%get3A_2, %get3A_3, %get3A_4] : memref<1x1000x128xf32, #tpu.memory_space<vmem>>, vector<1x1000x128xf32>
    %get3A_6 = vector.shape_cast %get3A_5 : vector<1x1000x128xf32> to vector<1000x128xf32>
    %get3A_7 = arith.constant 0 : index
    %get3A_8 = arith.constant 0 : index
    %get3A_9 = arith.constant 0 : index
    %get3A_10 = vector.load %arg3[%get3A_7, %get3A_8, %get3A_9] : memref<1x1000x128xf32, #tpu.memory_space<vmem>>, vector<1x1000x128xf32>
    %get3A_11 = vector.shape_cast %get3A_10 : vector<1x1000x128xf32> to vector<1000x128xf32>
    %add3A = arith.addf %get3A_6, %get3A_11 : vector<1000x128xf32>
    %get3A_12 = arith.constant 0 : index
    %get3A_13 = arith.constant 0 : index
    %get3A_14 = vector.load %arg4[%get3A_12, %get3A_13] : memref<128x128xf32, #tpu.memory_space<vmem>>, vector<128x128xf32>
    %dot_general3A = arith.constant dense<0.000000e+00> : vector<1000x128xf32>
    %dot_general3A_15 = tpu.matmul %get3A_1, %get3A_14, %dot_general3A {dimension_numbers = #tpu.dot_dimension_numbers<[1], [0], [0], [1], [0, 0, 1, 1], [], []>, transpose_lhs_hint = false} : vector<1000x128xf32>, vector<128x128xf32>, vector<1000x128xf32> -> vector<1000x128xf32>
    %get3A_16 = arith.constant 0 : index
    %get3A_17 = arith.constant 0 : index
    %get3A_18 = vector.load %arg5[%get3A_16, %get3A_17] : memref<128x128xf32, #tpu.memory_space<vmem>>, vector<128x128xf32>
    %dot_general3A_19 = arith.constant dense<0.000000e+00> : vector<1000x128xf32>
    %dot_general3A_20 = tpu.matmul %add3A, %get3A_18, %dot_general3A_19 {dimension_numbers = #tpu.dot_dimension_numbers<[1], [0], [0], [1], [0, 0, 1, 1], [], []>, transpose_lhs_hint = false} : vector<1000x128xf32>, vector<128x128xf32>, vector<1000x128xf32> -> vector<1000x128xf32>
    %add3A_21 = arith.addf %dot_general3A_15, %dot_general3A_20 : vector<1000x128xf32>
    %get3A_22 = arith.constant 0 : index
    %get3A_23 = arith.constant 0 : index
    %get3A_24 = vector.load %arg6[%get3A_22, %get3A_23] : memref<1x128xf32, #tpu.memory_space<vmem>>, vector<1x128xf32>
    %add3A_25 = vector.broadcast %get3A_24 : vector<1x128xf32> to vector<1000x128xf32>
    %add3A_26 = arith.addf %add3A_21, %add3A_25 : vector<1000x128xf32>
    %max3A = arith.constant 0.000000e+00 : f32
    %max3A_27 = vector.broadcast %max3A : f32 to vector<1000x128xf32>
    %max3A_28 = arith.maximumf %add3A_26, %max3A_27 : vector<1000x128xf32>
    %get3A_29 = arith.constant 0 : index
    %get3A_30 = arith.constant 0 : index
    %get3A_31 = vector.load %arg9[%get3A_29, %get3A_30] : memref<128x128xf32, #tpu.memory_space<vmem>>, vector<128x128xf32>
    %dot_general3A_32 = arith.constant dense<0.000000e+00> : vector<1000x128xf32>
    %dot_general3A_33 = tpu.matmul %get3A_1, %get3A_31, %dot_general3A_32 {dimension_numbers = #tpu.dot_dimension_numbers<[1], [0], [0], [1], [0, 0, 1, 1], [], []>, transpose_lhs_hint = false} : vector<1000x128xf32>, vector<128x128xf32>, vector<1000x128xf32> -> vector<1000x128xf32>
    %get3A_34 = arith.constant 0 : index
    %get3A_35 = arith.constant 0 : index
    %get3A_36 = vector.load %arg7[%get3A_34, %get3A_35] : memref<128x128xf32, #tpu.memory_space<vmem>>, vector<128x128xf32>
    %dot_general3A_37 = arith.constant dense<0.000000e+00> : vector<1000x128xf32>
    %dot_general3A_38 = tpu.matmul %max3A_28, %get3A_36, %dot_general3A_37 {dimension_numbers = #tpu.dot_dimension_numbers<[1], [0], [0], [1], [0, 0, 1, 1], [], []>, transpose_lhs_hint = false} : vector<1000x128xf32>, vector<128x128xf32>, vector<1000x128xf32> -> vector<1000x128xf32>
    %add3A_39 = arith.addf %dot_general3A_33, %dot_general3A_38 : vector<1000x128xf32>
    %get3A_40 = arith.constant 0 : index
    %get3A_41 = arith.constant 0 : index
    %get3A_42 = vector.load %arg8[%get3A_40, %get3A_41] : memref<1x128xf32, #tpu.memory_space<vmem>>, vector<1x128xf32>
    %add3A_43 = vector.broadcast %get3A_42 : vector<1x128xf32> to vector<1000x128xf32>
    %add3A_44 = arith.addf %add3A_39, %add3A_43 : vector<1000x128xf32>
    %reduce_sum3A = arith.constant dense<0.000000e+00> : vector<1000xf32>
    %reduce_sum3A_45 = vector.multi_reduction <add>, %add3A_44, %reduce_sum3A [1] : vector<1000x128xf32> to vector<1000xf32>
    %broadcast_in_dim3A = vector.shape_cast %reduce_sum3A_45 : vector<1000xf32> to vector<1000x1xf32>
    %div3A = arith.constant 1.280000e+02 : f32
    %div3A_46 = vector.broadcast %div3A : f32 to vector<1000x1xf32>
    %div3A_47 = arith.divf %broadcast_in_dim3A, %div3A_46 : vector<1000x1xf32>
    %sub3A = vector.broadcast %div3A_47 : vector<1000x1xf32> to vector<1000x128xf32>
    %sub3A_48 = arith.subf %add3A_44, %sub3A : vector<1000x128xf32>
    %square3A = arith.mulf %sub3A_48, %sub3A_48 : vector<1000x128xf32>
    %reduce_sum3A_49 = arith.constant dense<0.000000e+00> : vector<1000xf32>
    %reduce_sum3A_50 = vector.multi_reduction <add>, %square3A, %reduce_sum3A_49 [1] : vector<1000x128xf32> to vector<1000xf32>
    %broadcast_in_dim3A_51 = vector.shape_cast %reduce_sum3A_50 : vector<1000xf32> to vector<1000x1xf32>
    %div3A_52 = arith.constant 1.280000e+02 : f32
    %div3A_53 = vector.broadcast %div3A_52 : f32 to vector<1000x1xf32>
    %div3A_54 = arith.divf %broadcast_in_dim3A_51, %div3A_53 : vector<1000x1xf32>
    %sub3A_55 = vector.broadcast %div3A_47 : vector<1000x1xf32> to vector<1000x128xf32>
    %sub3A_56 = arith.subf %add3A_44, %sub3A_55 : vector<1000x128xf32>
    %add3A_57 = arith.constant 9.99999997E-7 : f32
    %add3A_58 = vector.broadcast %add3A_57 : f32 to vector<1000x1xf32>
    %add3A_59 = arith.addf %div3A_54, %add3A_58 : vector<1000x1xf32>
    %rsqrt3A = math.rsqrt %add3A_59 : vector<1000x1xf32>
    %mul3A = vector.broadcast %rsqrt3A : vector<1000x1xf32> to vector<1000x128xf32>
    %mul3A_60 = arith.mulf %sub3A_56, %mul3A : vector<1000x128xf32>
    %get3A_61 = arith.constant 0 : index
    %get3A_62 = arith.constant 0 : index
    %get3A_63 = vector.load %arg10[%get3A_61, %get3A_62] : memref<1x128xf32, #tpu.memory_space<vmem>>, vector<1x128xf32>
    %mul3A_64 = vector.broadcast %get3A_63 : vector<1x128xf32> to vector<1000x128xf32>
    %mul3A_65 = arith.mulf %mul3A_60, %mul3A_64 : vector<1000x128xf32>
    %get3A_66 = arith.constant 0 : index
    %get3A_67 = arith.constant 0 : index
    %get3A_68 = vector.load %arg11[%get3A_66, %get3A_67] : memref<1x128xf32, #tpu.memory_space<vmem>>, vector<1x128xf32>
    %add3A_69 = vector.broadcast %get3A_68 : vector<1x128xf32> to vector<1000x128xf32>
    %add3A_70 = arith.addf %mul3A_65, %add3A_69 : vector<1000x128xf32>
    %swap3A = arith.constant 0 : index
    %swap3A_71 = arith.constant 0 : index
    %swap3A_72 = vector.load %arg12[%swap3A, %swap3A_71] : memref<1000x128xf32, #tpu.memory_space<vmem>>, vector<1000x128xf32>
    tpu.vector_store %arg12[%swap3A, %swap3A_71], %add3A_70 {strides = array<i32>} : memref<1000x128xf32, #tpu.memory_space<vmem>>, vector<1000x128xf32>,
    return
  }
  func.func @transform_0(%arg0: i32) -> (i32, i32) {
    %c0_i32 = arith.constant 0 : i32
    %c0_i32_0 = arith.constant 0 : i32
    return %arg0, %c0_i32 : i32, i32
  }
  func.func @transform_1(%arg0: i32) -> (i32, i32, i32) {
    %c0_i32 = arith.constant 0 : i32
    %c0_i32_0 = arith.constant 0 : i32
    %c0_i32_1 = arith.constant 0 : i32
    return %c0_i32, %arg0, %c0_i32_0 : i32, i32, i32
  }
  func.func @transform_2(%arg0: i32) -> (i32, i32, i32) {
    %c1_i32 = arith.constant 1 : i32
    %c0_i32 = arith.constant 0 : i32
    %c0_i32_0 = arith.constant 0 : i32
    return %c1_i32, %arg0, %c0_i32 : i32, i32, i32
  }
  func.func @transform_3(%arg0: i32) -> (i32, i32) {
    %c0_i32 = arith.constant 0 : i32
    %c0_i32_0 = arith.constant 0 : i32
    %c0_i32_1 = arith.constant 0 : i32
    return %c0_i32, %c0_i32_0 : i32, i32
  }
  func.func @transform_4(%arg0: i32) -> (i32, i32) {
    %c0_i32 = arith.constant 0 : i32
    %c0_i32_0 = arith.constant 0 : i32
    %c0_i32_1 = arith.constant 0 : i32
    return %c0_i32, %c0_i32_0 : i32, i32
  }
  func.func @transform_5(%arg0: i32) -> (i32, i32) {
    %c0_i32 = arith.constant 0 : i32
    %c0_i32_0 = arith.constant 0 : i32
    %c0_i32_1 = arith.constant 0 : i32
    return %c0_i32, %c0_i32_0 : i32, i32
  }
  func.func @transform_6(%arg0: i32) -> (i32, i32) {
    %c0_i32 = arith.constant 0 : i32
    %c0_i32_0 = arith.constant 0 : i32
    %c0_i32_1 = arith.constant 0 : i32
    return %c0_i32, %c0_i32_0 : i32, i32
  }
  func.func @transform_7(%arg0: i32) -> (i32, i32) {
    %c0_i32 = arith.constant 0 : i32
    %c0_i32_0 = arith.constant 0 : i32
    %c0_i32_1 = arith.constant 0 : i32
    return %c0_i32, %c0_i32_0 : i32, i32
  }
  func.func @transform_8(%arg0: i32) -> (i32, i32) {
    %c0_i32 = arith.constant 0 : i32
    %c0_i32_0 = arith.constant 0 : i32
    %c0_i32_1 = arith.constant 0 : i32
    return %c0_i32, %c0_i32_0 : i32, i32
  }
  func.func @transform_9(%arg0: i32) -> (i32, i32) {
    %c0_i32 = arith.constant 0 : i32
    %c0_i32_0 = arith.constant 0 : i32
    %c0_i32_1 = arith.constant 0 : i32
    return %c0_i32, %c0_i32_0 : i32, i32
  }
  func.func @transform_10(%arg0: i32) -> (i32, i32) {
    %c0_i32 = arith.constant 0 : i32
    %c0_i32_0 = arith.constant 0 : i32
    %c0_i32_1 = arith.constant 0 : i32
    return %c0_i32, %c0_i32_0 : i32, i32
  }
  func.func @transform_11(%arg0: i32) -> (i32, i32) {
    %c0_i32 = arith.constant 0 : i32
    %c0_i32_0 = arith.constant 0 : i32
    return %arg0, %c0_i32 : i32, i32
  }
}

</mosaic_0001>

<sc_bundles>
// kernel: kernel.10.cloned.1.call-start
scs
__scs_entry_jumppad:
0x0: {  	(pc) =	sbr.rel $0x88, $3  }
0x1: {  	(tag) =	ssettag $0x0;
	lr =	simm.s32 $0x1  }
0x2: {  	[smem:$0x3F95] =	sst lr;
	_ =	strace $0xD0000000  }
0x3: {  	_ = 	snop  }
0x4: {  	_ = 	snop  }
0x5: {  	_ = 	snop  }
0x6: {  	_ = 	snop  }
0x7: {  	_ = 	snop  }
__scs_overlays_trampoline_lowered:
0x8: {  	[smem:$0x3FA4] =	sst s0  }
0x9: {  	[smem:$0x3FA5] =	sst s1  }
0xa: {  	[smem:$0x3FA6] =	sst s2  }
0xb: {  	[smem:$0x3FA7] =	sst s3  }
0xc: {  	[smem:$0x3FA8] =	sst s4  }
0xd: {  	[smem:$0x3FA9] =	sst s5  }
0xe: {  	[smem:$0x3FAA] =	sst s6  }
0xf: {  	[smem:$0x3FAB] =	sst s7  }
0x10: {  	[smem:$0x3FAC] =	sst s8  }
0x11: {  	[smem:$0x3FAD] =	sst s9;
	s0 =	simm.s32 @!p0 $0x0  }
0x12: {  	s1 =	sld [smem:$0x3F93];
	s0 =	simm.s32 @p0 $0x1  }
0x13: {  	[smem:$0x3FAE] =	sst s0;
	s0 =	simm.s32 @!p1 $0x0  }
0x14: {  	s2 =	sld [smem:$0x3F92];
	s0 =	simm.s32 @p1 $0x1  }
0x15: {  	[smem:$0x3FAF] =	sst s0;
	s0 =	simm.s32 @!p2 $0x0  }
0x16: {  	s3 =	sld [smem:$0x3FDB];
	s0 =	simm.s32 @p2 $0x1  }
0x17: {  	s4 =	simm.s32 $0x1BF5;
	[smem:$0x3FB1] =	sst s0  }
0x18: {  	s0 =	sld [smem:$0x3F94];
	_ =	swait.ge [sflag:s4], $0x0  }
0x19: {  	s7 =	sld [smem:$0x3F95]  }
0x1a: {  	s8 =	sadd.s32 $0xFFFFE003, lr  }
0x1b: {  	s9 =	sadd.s32 $0xFFFFFEF7, lr;
	s5 =	simm.s32 $0xFFFFFFFF;
	p2 =	slt.u32 s8, $0xFFFFF086  }
0x1c: {  	p1 =	slt.u32 s9, $0xF7A;
	s5 =	simm.s32 @!p2 $0x0  }
0x1d: {  	s5 =	simm.s32 @p1 $0x1;
	p0 =	seq.s32 s7, s2  }
0x1e: {  	s7 =	smul.u32 @!p0 $0xF7A, s2;
	p2 =	seq.s32 @!p0 s5, $0x0  }
0x1f: {  	s9 =	smul.u32 $0xF7A, s1;
	s8 =	simm.s32 @!p0 $0x1BF5;
	p2 =	por !p2, p0  }
0x20: {  	[sflag:s8] =	ssyncset.s32 @!p0 $0xFFFFF086;
	s6 =	sadd.s32 @!p0 s3, s7;
	s7 =	simm.s32 @!p0 $0x108  }
0x21: {  	s3 =	sadd.s32 s3, s9;
	s6 =	sadd.s32 @!p0 $0x88, s6;
	s7 =	simm.s32 @p2 $0x1082  }
0x22: {  	[simem:s7], [sflag:s8] =	dma.local @!p0 [hbm:s6], $0xF7A  }
0x23: {  	s9 =	sor.u32 $0xD0000000, s2;
	s6 =	simm.s32 $0x108;
	_ =	swait.ge @!p0 [sflag:s8], $0x0  }
0x24: {  	s3 =	sadd.s32 $0x88, s3;
	s6 =	simm.s32 @!p1 $0x1082;
	[sflag:s4] =	ssyncset.s32 $0xFFFFF086  }
0x25: {  	[simem:s6], [sflag:s4] =	dma.local [hbm:s3], $0xF7A  }
0x26: {  	[smem:$0x3F95] =	sst s1;
	(tag) =	ssettag s2;
	_ =	strace s9  }
0x27: {  	s1 =	sld [smem:$0x3FA5]  }
0x28: {  	s2 =	sld [smem:$0x3FA6]  }
0x29: {  	s4 =	sld [smem:$0x3FA8]  }
0x2a: {  	p0 =	seq.s32 s5, $0x0;
	s5 =	sld [smem:$0x3FA9]  }
0x2b: {  	s6 =	sld [smem:$0x3FAA]  }
0x2c: {  	s7 =	sld [smem:$0x3FAB]  }
0x2d: {  	s3 =	simm.s32 $0x108;
	s8 =	sld [smem:$0x3FAC]  }
0x2e: {  	s3 =	simm.s32 @!p0 $0x1082;
	s9 =	sld [smem:$0x3FAD]  }
0x2f: {  	lr =	sadd.s32 s0, s3;
	s0 =	sld [smem:$0x3FA4]  }
0x30: {  	s3 =	sld [smem:$0x3FA7]  }
0x31: {  	[smem:$0x3FB0] =	sst s10  }
0x32: {  	s10 =	sld [smem:$0x3FAE];
	_ =	sdelay $0x3  }
0x33: {  	p0 =	seq.s32 s10, $0x1;
	s10 =	sld [smem:$0x3FB0];
	_ =	sdelay $0x3  }
0x34: {  	[smem:$0x3FB0] =	sst s10  }
0x35: {  	s10 =	sld [smem:$0x3FAF];
	_ =	sdelay $0x3  }
0x36: {  	p1 =	seq.s32 s10, $0x1;
	s10 =	sld [smem:$0x3FB0];
	_ =	sdelay $0x3  }
0x37: {  	[smem:$0x3FB0] =	sst s10  }
0x38: {  	s10 =	sld [smem:$0x3FB1]  }
0x39: {  	_ = 	snop;
	(pc) =	sbr.ind lr, $3  }
0x3a: {  	_ = 	snop  }
0x3b: {  	_ = 	snop  }
0x3c: {  	p2 =	seq.s32 s10, $0x1;
	s10 =	sld [smem:$0x3FB0]  }
0x3d: {  	_ =	shalt  }
0x3e: {  	_ =	shalt  }
0x3f: {  	_ =	shalt  }
0x40: {  	_ =	shalt  }
0x41: {  	_ =	shalt  }
0x42: {  	_ =	shalt  }
0x43: {  	_ =	shalt  }
0x44: {  	_ =	shalt  }
0x45: {  	_ =	shalt  }
0x46: {  	_ =	shalt  }
0x47: {  	_ =	shalt  }
0x48: {  	_ =	shalt  }
0x49: {  	_ =	shalt  }
0x4a: {  	_ =	shalt  }
0x4b: {  	_ =	shalt  }
0x4c: {  	_ =	shalt  }
0x4d: {  	_ =	shalt  }
0x4e: {  	_ =	shalt  }
0x4f: {  	_ =	shalt  }
0x50: {  	_ =	shalt  }
0x51: {  	_ =	shalt  }
0x52: {  	_ =	shalt  }
0x53: {  	_ =	shalt  }
0x54: {  	_ =	shalt  }
0x55: {  	_ =	shalt  }
0x56: {  	_ =	shalt  }
0x57: {  	_ =	shalt  }
0x58: {  	_ =	shalt  }
0x59: {  	_ =	shalt  }
0x5a: {  	_ =	shalt  }
0x5b: {  	_ =	shalt  }
0x5c: {  	_ =	shalt  }
0x5d: {  	_ =	shalt  }
0x5e: {  	_ =	shalt  }
0x5f: {  	_ =	shalt  }
0x60: {  	_ =	shalt  }
0x61: {  	_ =	shalt  }
0x62: {  	_ =	shalt  }
0x63: {  	_ =	shalt  }
0x64: {  	_ =	shalt  }
0x65: {  	_ =	shalt  }
0x66: {  	_ =	shalt  }
0x67: {  	_ =	shalt  }
0x68: {  	_ =	shalt  }
0x69: {  	_ =	shalt  }
0x6a: {  	_ =	shalt  }
0x6b: {  	_ =	shalt  }
0x6c: {  	_ =	shalt  }
0x6d: {  	_ =	shalt  }
0x6e: {  	_ =	shalt  }
0x6f: {  	_ =	shalt  }
0x70: {  	_ =	shalt  }
0x71: {  	_ =	shalt  }
0x72: {  	_ =	shalt  }
0x73: {  	_ =	shalt  }
0x74: {  	_ =	shalt  }
0x75: {  	_ =	shalt  }
0x76: {  	_ =	shalt  }
0x77: {  	_ =	shalt  }
0x78: {  	_ =	shalt  }
0x79: {  	_ =	shalt  }
0x7a: {  	_ =	shalt  }
0x7b: {  	_ =	shalt  }
0x7c: {  	_ =	shalt  }
0x7d: {  	_ =	shalt  }
0x7e: {  	_ =	shalt  }
0x7f: {  	_ =	shalt  }
0x80: {  	_ =	shalt  }
0x81: {  	_ =	shalt  }
0x82: {  	_ =	shalt  }
0x83: {  	_ =	shalt  }
0x84: {  	_ =	shalt  }
0x85: {  	_ =	shalt  }
0x86: {  	_ =	shalt  }
0x87: {  	_ =	shalt  }
.Lfunc_end0:
.L_simem_size_0:
called_computation.1_lowered:
.L_overlay_start_0:
0x88: {  	s2 =	sld [smem:$0x3FD9]  }
0x89: {  	s3 =	sld [smem:$0x3FFE];
	_ =	sdelay $0x1  }
0x8a: {  	s1 =	srdreg.scid  }
0x8b: {  	s0 =	sand.u32 $0x1, s1  }
0x8c: {  	s17 =	sshll.u32 s0, $0xA;
	s2 =	sadd.s32 s3, s2  }
0x8d: {  	s2 =	sadd.s32 s2, s17  }
0x8e: {  	[smem:$0x3FBC] =	sst s2  }
0x8f: {  	_ = 	snop  }
0x90: {  	s2 =	sld [smem:$0x3FC7];
	(tm) =	ssettm $0x1  }
0x91: {  	s18 =	sld [smem:$0x3FFB];
	_ =	sdelay $0x3  }
0x92: {  	_ =	strace s18  }
0x93: {  	s3 =	sld [smem:$0x3FFC];
	_ =	sdelay $0x3  }
0x94: {  	_ =	strace s3  }
0x95: {  	s3 =	sld [smem:$0x3FFD];
	_ =	sdelay $0x3  }
0x96: {  	_ =	strace s3  }
0x97: {  	_ =	strace $0x8FFFFFFF  }
0x98: {  	s19 =	sld [smem:$0x3FDB];
	_ =	sdelay $0x1  }
0x99: {  	s4 =	simm.s32 $_scs_section_size  }
0x9a: {  	s5 =	simm.s32 $_size__tile_overlayer_lowered;
	s6 =	simm.s32 $_tile_overlayer_lowered  }
0x9b: {  	s22 =	simm.s32 $0x1BFF;
	s21 =	sshll.u32 s6, $0x1;
	s3 =	sadd.s32 s4, s19  }
0x9c: {  	s7 =	simm.s32 $0x0;
	s20 =	sshll.u32 s5, $0x1;
	s5 =	sadd.s32 s21, s3  }
0x9d: {  	[timem:s7], [sflag:s22] =	dma.local [hbm:s5], s20  }
0x9e: {  	_ =	swait.ge [sflag:s22], s20  }
0x9f: {  	s4 =	ssub.s32 $0x0, s20;
	[sflag:s22] =	ssyncset.done $0x0  }
0xa0: {  	[sflag:s22] =	ssyncadd.s32 s4;
	_ =	sdelay $0x1  }
0xa1: {  	s23 =	simm.s32 $0x1B8B  }
0xa2: {  	_ =	swait.ge [sflag:s23], $0x1  }
0xa3: {  	[sflag:s23] =	ssyncset.done $0x0  }
0xa4: {  	s25 =	simm.s32 $0x1B8E;
	s24 =	sld [smem:$0x3FFE];
	[sflag:s23] =	ssyncadd.s32 $0xFFFFFFFF  }
0xa5: {  	s26 =	simm.s32 $execute0_lowered;
	[smem:$0x3FD2] =	sst s25  }
0xa6: {  	s5 =	sshll.u32 s26, $0x1;
	_ =	strace $0x80000049;
	[dreg:$0x1] =	wrdreg $0xFFFFFFFF  }
0xa7: {  	s28 =	simm.s32 $_size_execute0_lowered;
	s3 =	sadd.s32 s3, s5;
	[dreg:$0x0] =	wrdreg $0x0  }
0xa8: {  	s5 =	sshll.u32 s28, $0x1;
	[dreg:$0x2] =	wrdreg s3  }
0xa9: {  	[dreg:$0x3] =	wrdreg s5  }
0xaa: {  	[dreg:$0x4] =	wrdreg $0xC0  }
0xab: {  	_ =	task [dreg:s7], $0x5FFFF  }
0xac: {  	[dreg:$0x1] =	wrdreg $0xFFFFFFFF  }
0xad: {  	[dreg:$0x0] =	wrdreg $0x60  }
0xae: {  	[dreg:$0x2] =	wrdreg s24  }
0xaf: {  	[dreg:$0x3] =	wrdreg s2  }
0xb0: {  	[dreg:$0x4] =	wrdreg $0x0  }
0xb1: {  	[dreg:$0x5] =	wrdreg $0x9  }
0xb2: {  	_ =	task.clear_ibuf [dreg:s7], $0x6FFFF;
	_ =	strace $0x90000049  }
0xb3: {  	s29 =	simm.s32 $0x9;
	_ =	strace $0x8000004B  }
0xb4: {  	_ =	swait.ge [sflag:s29], $0x1  }
0xb5: {  	[sflag:s29] =	ssyncadd.s32 $0xFFFFFFFF  }
0xb6: {  	_ =	strace $0x9000004B  }
0xb7: {  	_ =	sfence  }
0xb8: {  	s30 =	sld [smem:$0x0];
	_ =	sdelay $0x2  }
0xb9: {  	s31 =	sshll.u32 s1, $0xD;
	s1 =	sshrl.u32 s1, $0x2  }
0xba: {  	s3 =	sand.u32 $0x4000, s31;
	s1 =	sadd.s32 s1, s30  }
0xbb: {  	s0 =	sor.u32 s3, s0;
	s1 =	sshll.u32 s1, $0x11  }
0xbc: {  	s0 =	sor.u32 s1, s0  }
0xbd: {  	s0 =	sadd.s32 $0x8F2B, s0  }
0xbe: {  	[sflag:s0] =	ssyncadd.remote.s32 $0x1  }
0xbf: {  	_ =	sfence.sel $0xFFFF  }
0xc0: {  	[dreg:$0x0] =	wrdreg $0xFFFFFFFF;
	(pc) =	sbr.abs _section_cstart, $3  }
0xc1: {  	[dreg:$0x1] =	wrdreg $0xFFFFFFFF  }
0xc2: {  	_ =	task.clear_ibuf [dreg:s7], $0x2FFFF;
	_ =	strace $0x9FFFFFFF  }
0xc3: {  	(tm) =	ssettm $0x7FFFFFFF  }
tec
execute0_lowered:
.L_overlay_start_1:
0x0: {  	(tag) =	ssettag $0x1  }
0x1: {  	s0 =	rddreg [dreg:$0x0]  }
0x2: {  	s2 =	rddreg [dreg:$0x1]  }
0x3: {  	s1 =	srdreg.scid;
	s3 =	rddreg [dreg:$0x2]  }
0x4: {  	s12 =	stileid.u32;
	s4 =	simm.s32 $0x0;
	s28 =	simm.s32 $0x14200  }
0x5: {  	s29 =	simm.s32 $0x14080;
	s30 =	simm.s32 $0x2;
	s6 =	smul.u32 $0x14000, s12  }
0x6: {  	s31 =	simm.s32 $0x16A00;
	s1 =	sand.u32 $0x1, s1;
	s7 =	smul.u32 $0x50000, s12  }
0x7: {  	[smem:$0x7FF] =	sst s4;
	s19 =	sshll.u32 s12, $0x6;
	s5 =	smul.u32 $0x140000, s1  }
0x8: {  	_ =	strace $0x8000004A;
	s15 =	ssub.s32 $0x2, s1;
	s8 =	sshll.u32 s1, $0x4  }
0x9: {  	s17 =	sor.u32 $0x1C09, s19;
	s9 =	sshrl.u32 s15, $0x1;
	s8 =	sor.u32 s12, s8  }
0xa: {  	s7 =	sshrl.u32 s7, $0x2;
	[dreg:$0x7] =	wrdreg s17;
	s16 =	smul.u32 $0x2710, s8  }
0xb: {  	s5 =	sadd.s32 s6, s5;
	s6 =	sadd.s32 $0x55D400, s0;
	s10 =	smul.u32 $0x27100, s8  }
0xc: {  	s7 =	sadd.s32 s7, s3;
	s8 =	smul.u32 $0x138800, s8;
	s5 =	sshrl.u32 s5, $0x3  }
0xd: {  	[dreg:$0x5] =	wrdreg s7;
	s0 =	sadd.s32 s5, s0;
	s5 =	ssub.s32 s15, s9  }
0xe: {  	s20 =	sshrl.u32 s16, $0x3;
	s11 =	sadd.s32 $0x50, s16;
	s15 =	smul.u32 $0x271000, s1  }
0xf: {  	s24 =	sadd.s32 $0xA0, s16;
	s9 =	sadd.s32 $0x26C0, s16;
	s16 =	smul.u32 $0x27100, s12  }
0x10: {  	s21 =	sadd.s32 s6, s10;
	s14 =	sshrl.u32 s8, $0x3;
	s1 =	smul.u32 $0x27100, s1  }
0x11: {  	s8 =	simm.s32 $0x6;
	s18 =	sadd.s32 $0x2B400, s0;
	s13 =	sadd.s32 s2, s20  }
0x12: {  	[dreg:$0x9] =	wrdreg s21;
	s22 =	sshrl.u32 s11, $0x3;
	s23 =	sshll.u32 s11, $0x4  }
0x13: {  	s25 =	sshrl.u32 s24, $0x3;
	s10 =	sshll.u32 s24, $0x4;
	s19 =	sshll.u32 s9, $0x4  }
0x14: {  	s20 =	smul.u32 $0x2710, s12;
	s0 =	sadd.s32 $0x7B400, s0;
	[dreg:$0x6] =	wrdreg s18  }
0x15: {  	s5 =	smax.u32 s5, $0x1;
	s12 =	simm.s32 $0x50;
	[dreg:$0x8] =	wrdreg s13  }
0x16: {  	s7 =	sadd.s32 s2, s22;
	s26 =	sadd.s32 s2, s25;
	[dreg:$0x12] =	wrdreg s0  }
0x17: {  	s11 =	sadd.s32 s6, s10;
	s13 =	sadd.s32 $0x1E, s13;
	[dreg:$0x13] =	wrdreg s5  }
0x18: {  	s18 =	sshrl.u32 s9, $0x3;
	s21 =	sadd.s32 s15, s6;
	[dreg:$0xa] =	wrdreg s7  }
0x19: {  	s9 =	simm.s32 $0x4;
	s10 =	simm.s32 $0x1BA00;
	[dreg:$0xc] =	wrdreg s26  }
0x1a: {  	s15 =	simm.s32 $0x0;
	s7 =	sadd.s32 s6, s23;
	[dreg:$0xd] =	wrdreg s11  }
0x1b: {  	[dreg:$0xe] =	wrdreg s13;
	s0 =	sadd.s32 s16, s21;
	s1 =	sadd.s32 s20, s1  }
0x1c: {  	s11 =	simm.s32 $0x5;
	s13 =	simm.s32 $0x7;
	[dreg:$0xb] =	wrdreg s7  }
0x1d: {  	s7 =	sadd.s32 s6, s14;
	[dreg:$0x4] =	wrdreg s0;
	s22 =	sadd.s32 $0x1E0, s1  }
0x1e: {  	s23 =	sadd.s32 $0x190, s1;
	s24 =	sadd.s32 $0x230, s1;
	s1 =	sadd.s32 $0x140, s1  }
0x1f: {  	s14 =	simm.s32 $0x8;
	s7 =	sadd.s32 $0x26700, s7;
	s0 =	sshrl.u32 s22, $0x3  }
0x20: {  	s5 =	sshrl.u32 s23, $0x3;
	s26 =	sshrl.u32 s24, $0x3;
	[dreg:$0x16] =	wrdreg s1  }
0x21: {  	s24 =	simm.s32 $0x9;
	[dreg:$0xf] =	wrdreg s7;
	s7 =	sadd.s32 s2, s18  }
0x22: {  	s1 =	simm.s32 $0x3;
	s0 =	sadd.s32 s0, s2;
	[dreg:$0x10] =	wrdreg s7  }
0x23: {  	s25 =	sadd.s32 s5, s2;
	s5 =	simm.s32 $0x19200;
	[dreg:$0x14] =	wrdreg s0  }
0x24: {  	s7 =	sadd.s32 s6, s19;
	[dreg:$0x15] =	wrdreg s25;
	s0 =	sadd.s32 s26, s2  }
0x25: {  	s25 =	simm.s32 $0x14000;
	s26 =	simm.s32 $0x1;
	[dreg:$0x11] =	wrdreg s7  }
0x26: {  	s6 =	simm.s32 $0x14180;
	[dreg:$0x17] =	wrdreg s0;
	s0 =	simm.s32 $0x14100  }
.LBB2_1:
0x27: {  	s7 =	rddreg [dreg:$0x5]  }
0x28: {  	s18 =	rddreg [dreg:$0x6];
	s16 =	sshrl.u32 s7, $0x3  }
0x29: {  	[spmem:s16], [sflag:s17] =	dma.local [hbm:s18], $0x2800  }
0x2a: {  	_ =	swait.ge [sflag:s24], $0x2800  }
0x2b: {  	[sflag:s24] =	ssyncset.done $0x0  }
0x2c: {  	[sflag:s24] =	ssyncadd.s32 $0xFFFFD800  }
0x2d: {  	[bflag:$0x0] =	sbarrier.arrive $0xFFFF  }
0x2e: {  	s19 =	rddreg [dreg:$0x8]  }
0x2f: {  	[tilespmem:s25], [sflag:$0x1] =	stream.linear.gather [hbm4b:s19+s4], $0x50, $0x38;
	[tilespmem:$0x1E200] =	vst v63  }
0x30: {  	_ =	swait.ge [sflag:s26], $0x50  }
0x31: {  	[sflag:s26] =	ssyncset.done $0x0  }
0x32: {  	s20 =	rddreg [dreg:$0x9];
	[sflag:s26] =	ssyncadd.s32 $0xFFFFFFB0  }
0x33: {  	[tilespmem:s28], [sflag:$0x5] =	stream.linear.gather [hbm4b:s20+s4], $0x2800, $0x38;
	[tilespmem:$0x1E200] =	vst v63  }
0x34: {  	s21 =	rddreg [dreg:$0xa]  }
0x35: {  	[tilespmem:s29], [sflag:$0x2] =	stream.linear.gather [hbm4b:s21+s4], $0x50, $0x38;
	[tilespmem:$0x1E200] =	vst v63  }
0x36: {  	_ =	swait.ge [sflag:s30], $0x50  }
0x37: {  	[sflag:s30] =	ssyncset.done $0x0  }
0x38: {  	s22 =	rddreg [dreg:$0xb];
	[sflag:s30] =	ssyncadd.s32 $0xFFFFFFB0  }
0x39: {  	[tilespmem:s31], [sflag:$0x6] =	stream.linear.gather [hbm4b:s22+s4], $0x2800, $0x38;
	[tilespmem:$0x1E200] =	vst v63  }
0x3a: {  	s23 =	rddreg [dreg:$0xc]  }
0x3b: {  	[tilespmem:s0], [sflag:$0x3] =	stream.linear.gather [hbm4b:s23+s4], $0x50, $0x38;
	[tilespmem:$0x1E200] =	vst v63  }
0x3c: {  	_ =	swait.ge [sflag:s1], $0x50  }
0x3d: {  	[sflag:s1] =	ssyncset.done $0x0  }
0x3e: {  	s17 =	rddreg [dreg:$0xd];
	[sflag:s1] =	ssyncadd.s32 $0xFFFFFFB0  }
0x3f: {  	[tilespmem:s5], [sflag:$0x7] =	stream.linear.gather [hbm4b:s17+s4], $0x2800, $0x38;
	[tilespmem:$0x1E200] =	vst v63  }
0x40: {  	s18 =	rddreg [dreg:$0xe]  }
0x41: {  	[tilespmem:s6], [sflag:$0x4] =	stream.linear.gather [hbm4b:s18+s4], $0x50, $0x38;
	[tilespmem:$0x1E200] =	vst v63  }
0x42: {  	_ =	swait.ge [sflag:s9], $0x50  }
0x43: {  	s19 =	rddreg [dreg:$0x4]  }
0x44: {  	[sflag:s9] =	ssyncset.done $0x0;
	s7 =	sadd.s32 $0x0, s19  }
0x45: {  	[sflag:s9] =	ssyncadd.s32 $0xFFFFFFB0;
	s20 =	sadd.s32 $0xF00, s7  }
0x46: {  	[tilespmem:s10], [sflag:$0x8] =	stream.linear.gather [hbm4b:s20+s4], $0x2800, $0x38;
	[tilespmem:$0x1E200] =	vst v63  }
0x47: {  	_ =	swait.ge [sflag:s11], $0x2800  }
0x48: {  	[sflag:s11] =	ssyncset.done $0x0  }
0x49: {  	[sflag:s11] =	ssyncadd.s32 $0xFFFFD800  }
0x4a: {  	[spmem:s3] =	stream.indirect.scatter.add.f32 [tilespmem:s28], [sflag:$0x9], $0x80, s25, s12, $0xb8;
	[tilespmem:$0x1E200] =	vst v63  }
0x4b: {  	_ =	swait.ge [sflag:s24], $0x2800  }
0x4c: {  	s18 =	rddreg [dreg:$0x16]  }
0x4d: {  	[sflag:s24] =	ssyncset.done $0x0;
	s21 =	sshrl.u32 s18, $0x3  }
0x4e: {  	[sflag:s24] =	ssyncadd.s32 $0xFFFFD800;
	s17 =	sadd.s32 s2, s21  }
0x4f: {  	[tilespmem:s25], [sflag:$0x1] =	stream.linear.gather [hbm4b:s17+s4], $0x50, $0x38;
	[tilespmem:$0x1E200] =	vst v63  }
0x50: {  	_ =	swait.ge [sflag:s26], $0x50  }
0x51: {  	[sflag:s26] =	ssyncset.done $0x0  }
0x52: {  	s22 =	sadd.s32 $0x1400, s7;
	[sflag:s26] =	ssyncadd.s32 $0xFFFFFFB0  }
0x53: {  	[tilespmem:s28], [sflag:$0x5] =	stream.linear.gather [hbm4b:s22+s4], $0x2800, $0x38;
	[tilespmem:$0x1E200] =	vst v63  }
0x54: {  	_ =	swait.ge [sflag:s8], $0x2800  }
0x55: {  	[sflag:s8] =	ssyncset.done $0x0  }
0x56: {  	[sflag:s8] =	ssyncadd.s32 $0xFFFFD800  }
0x57: {  	[spmem:s3] =	stream.indirect.scatter.add.f32 [tilespmem:s31], [sflag:$0x9], $0x80, s29, s12, $0xb8;
	[tilespmem:$0x1E200] =	vst v63  }
0x58: {  	_ =	swait.ge [sflag:s24], $0x2800  }
0x59: {  	[sflag:s24] =	ssyncset.done $0x0  }
0x5a: {  	s21 =	rddreg [dreg:$0x15];
	[sflag:s24] =	ssyncadd.s32 $0xFFFFD800  }
0x5b: {  	[tilespmem:s29], [sflag:$0x2] =	stream.linear.gather [hbm4b:s21+s4], $0x50, $0x38;
	[tilespmem:$0x1E200] =	vst v63  }
0x5c: {  	_ =	swait.ge [sflag:s30], $0x50  }
0x5d: {  	[sflag:s30] =	ssyncset.done $0x0  }
0x5e: {  	s23 =	sadd.s32 $0x1900, s7;
	[sflag:s30] =	ssyncadd.s32 $0xFFFFFFB0  }
0x5f: {  	[tilespmem:s31], [sflag:$0x6] =	stream.linear.gather [hbm4b:s23+s4], $0x2800, $0x38;
	[tilespmem:$0x1E200] =	vst v63  }
0x60: {  	_ =	swait.ge [sflag:s13], $0x2800  }
0x61: {  	[sflag:s13] =	ssyncset.done $0x0  }
0x62: {  	[sflag:s13] =	ssyncadd.s32 $0xFFFFD800  }
0x63: {  	[spmem:s3] =	stream.indirect.scatter.add.f32 [tilespmem:s5], [sflag:$0x9], $0x80, s0, s12, $0xb8;
	[tilespmem:$0x1E200] =	vst v63  }
0x64: {  	_ =	swait.ge [sflag:s24], $0x2800  }
0x65: {  	[sflag:s24] =	ssyncset.done $0x0  }
0x66: {  	s20 =	rddreg [dreg:$0x14];
	[sflag:s24] =	ssyncadd.s32 $0xFFFFD800  }
0x67: {  	[tilespmem:s0], [sflag:$0x3] =	stream.linear.gather [hbm4b:s20+s4], $0x50, $0x38;
	[tilespmem:$0x1E200] =	vst v63  }
0x68: {  	_ =	swait.ge [sflag:s1], $0x50  }
0x69: {  	[sflag:s1] =	ssyncset.done $0x0  }
0x6a: {  	s7 =	sadd.s32 $0x1E00, s7;
	[sflag:s1] =	ssyncadd.s32 $0xFFFFFFB0  }
0x6b: {  	[tilespmem:s5], [sflag:$0x7] =	stream.linear.gather [hbm4b:s7+s4], $0x2800, $0x38;
	[tilespmem:$0x1E200] =	vst v63  }
0x6c: {  	_ =	swait.ge [sflag:s14], $0x2800  }
0x6d: {  	[sflag:s14] =	ssyncset.done $0x0  }
0x6e: {  	[sflag:s14] =	ssyncadd.s32 $0xFFFFD800  }
0x6f: {  	[spmem:s3] =	stream.indirect.scatter.add.f32 [tilespmem:s10], [sflag:$0x9], $0x80, s6, s12, $0xb8;
	[tilespmem:$0x1E200] =	vst v63  }
0x70: {  	s18 =	sadd.s32 $0x140, s18;
	s17 =	simm.s32 $0x1400;
	_ =	swait.ge [sflag:s24], $0x2800  }
0x71: {  	s7 =	sadd.s32 $0x28, s20;
	[sflag:s24] =	ssyncset.done $0x0;
	s23 =	rddreg [dreg:$0x17]  }
0x72: {  	s20 =	sadd.s32 $0x28, s21;
	s19 =	sadd.s32 $0x28, s23;
	[sflag:s24] =	ssyncadd.s32 $0xFFFFD800  }
.LBB2_2:
0x73: {  	[tilespmem:s6], [sflag:$0x4] =	stream.linear.gather [hbm4b:s23+s4], $0x50, $0x38;
	[tilespmem:$0x1E200] =	vst v63  }
0x74: {  	_ =	swait.ge [sflag:s9], $0x50  }
0x75: {  	s22 =	smov.u32 s17;
	s21 =	rddreg [dreg:$0x4]  }
0x76: {  	[sflag:s9] =	ssyncset.done $0x0;
	s22 =	sadd.s32 s22, s21  }
0x77: {  	[sflag:s9] =	ssyncadd.s32 $0xFFFFFFB0;
	s21 =	sadd.s32 $0xF00, s22  }
0x78: {  	[tilespmem:s10], [sflag:$0x8] =	stream.linear.gather [hbm4b:s21+s4], $0x2800, $0x38;
	[tilespmem:$0x1E200] =	vst v63  }
0x79: {  	_ =	swait.ge [sflag:s11], $0x2800  }
0x7a: {  	[sflag:s11] =	ssyncset.done $0x0  }
0x7b: {  	[sflag:s11] =	ssyncadd.s32 $0xFFFFD800  }
0x7c: {  	[spmem:s3] =	stream.indirect.scatter.add.f32 [tilespmem:s28], [sflag:$0x9], $0x80, s25, s12, $0xb8;
	[tilespmem:$0x1E200] =	vst v63  }
0x7d: {  	_ =	swait.ge [sflag:s24], $0x2800  }
0x7e: {  	s21 =	sshrl.u32 s18, $0x3;
	[sflag:s24] =	ssyncset.done $0x0  }
0x7f: {  	s21 =	sadd.s32 s2, s21;
	[sflag:s24] =	ssyncadd.s32 $0xFFFFD800  }
0x80: {  	[tilespmem:s25], [sflag:$0x1] =	stream.linear.gather [hbm4b:s21+s4], $0x50, $0x38;
	[tilespmem:$0x1E200] =	vst v63  }
0x81: {  	_ =	swait.ge [sflag:s26], $0x50  }
0x82: {  	[sflag:s26] =	ssyncset.done $0x0  }
0x83: {  	s21 =	sadd.s32 $0x1400, s22;
	[sflag:s26] =	ssyncadd.s32 $0xFFFFFFB0  }
0x84: {  	[tilespmem:s28], [sflag:$0x5] =	stream.linear.gather [hbm4b:s21+s4], $0x2800, $0x38;
	[tilespmem:$0x1E200] =	vst v63  }
0x85: {  	_ =	swait.ge [sflag:s8], $0x2800  }
0x86: {  	[sflag:s8] =	ssyncset.done $0x0  }
0x87: {  	[sflag:s8] =	ssyncadd.s32 $0xFFFFD800  }
0x88: {  	[spmem:s3] =	stream.indirect.scatter.add.f32 [tilespmem:s31], [sflag:$0x9], $0x80, s29, s12, $0xb8;
	[tilespmem:$0x1E200] =	vst v63  }
0x89: {  	_ =	swait.ge [sflag:s24], $0x2800  }
0x8a: {  	[sflag:s24] =	ssyncset.done $0x0  }
0x8b: {  	[sflag:s24] =	ssyncadd.s32 $0xFFFFD800  }
0x8c: {  	[tilespmem:s29], [sflag:$0x2] =	stream.linear.gather [hbm4b:s20+s4], $0x50, $0x38;
	[tilespmem:$0x1E200] =	vst v63  }
0x8d: {  	_ =	swait.ge [sflag:s30], $0x50  }
0x8e: {  	[sflag:s30] =	ssyncset.done $0x0  }
0x8f: {  	s21 =	sadd.s32 $0x1900, s22;
	[sflag:s30] =	ssyncadd.s32 $0xFFFFFFB0  }
0x90: {  	[tilespmem:s31], [sflag:$0x6] =	stream.linear.gather [hbm4b:s21+s4], $0x2800, $0x38;
	[tilespmem:$0x1E200] =	vst v63  }
0x91: {  	_ =	swait.ge [sflag:s13], $0x2800  }
0x92: {  	[sflag:s13] =	ssyncset.done $0x0  }
0x93: {  	[sflag:s13] =	ssyncadd.s32 $0xFFFFD800  }
0x94: {  	[spmem:s3] =	stream.indirect.scatter.add.f32 [tilespmem:s5], [sflag:$0x9], $0x80, s0, s12, $0xb8;
	[tilespmem:$0x1E200] =	vst v63  }
0x95: {  	_ =	swait.ge [sflag:s24], $0x2800  }
0x96: {  	[sflag:s24] =	ssyncset.done $0x0  }
0x97: {  	[sflag:s24] =	ssyncadd.s32 $0xFFFFD800  }
0x98: {  	[tilespmem:s0], [sflag:$0x3] =	stream.linear.gather [hbm4b:s7+s4], $0x50, $0x38;
	[tilespmem:$0x1E200] =	vst v63  }
0x99: {  	_ =	swait.ge [sflag:s1], $0x50  }
0x9a: {  	[sflag:s1] =	ssyncset.done $0x0  }
0x9b: {  	s22 =	sadd.s32 $0x1E00, s22;
	[sflag:s1] =	ssyncadd.s32 $0xFFFFFFB0  }
0x9c: {  	[tilespmem:s5], [sflag:$0x7] =	stream.linear.gather [hbm4b:s22+s4], $0x2800, $0x38;
	[tilespmem:$0x1E200] =	vst v63  }
0x9d: {  	_ =	swait.ge [sflag:s14], $0x2800  }
0x9e: {  	p0 =	sne.s32 s17, $0x24400;
	[sflag:s14] =	ssyncset.done $0x0  }
.Ltmp0:
0x9f: {  	[sflag:s14] =	ssyncadd.s32 $0xFFFFD800;
	(pc) =	sbr.rel @p0 .LBB2_2-.Ltmp0, $4  }
0xa0: {  	[spmem:s3] =	stream.indirect.scatter.add.f32 [tilespmem:s10], [sflag:$0x9], $0x80, s6, s12, $0xb8;
	[tilespmem:$0x1E200] =	vst v63  }
0xa1: {  	s23 =	smov.u32 s19;
	s17 =	sadd.s32 $0x1400, s17;
	_ =	swait.ge [sflag:s24], $0x2800  }
0xa2: {  	s19 =	sadd.s32 $0x28, s19;
	s18 =	sadd.s32 $0x140, s18;
	[sflag:s24] =	ssyncset.done $0x0  }
0xa3: {  	s20 =	sadd.s32 $0x28, s20;
	s7 =	sadd.s32 $0x28, s7;
	[sflag:s24] =	ssyncadd.s32 $0xFFFFD800  }
0xa4: {  	[tilespmem:s6], [sflag:$0x4] =	stream.linear.gather [hbm4b:s23+s4], $0x50, $0x38;
	[tilespmem:$0x1E200] =	vst v63  }
0xa5: {  	_ =	swait.ge [sflag:s9], $0x50  }
0xa6: {  	[sflag:s9] =	ssyncset.done $0x0  }
0xa7: {  	s7 =	rddreg [dreg:$0xf];
	[sflag:s9] =	ssyncadd.s32 $0xFFFFFFB0  }
0xa8: {  	[tilespmem:s10], [sflag:$0x8] =	stream.linear.gather [hbm4b:s7+s4], $0x2800, $0x38;
	[tilespmem:$0x1E200] =	vst v63  }
0xa9: {  	_ =	swait.ge [sflag:s11], $0x2800  }
0xaa: {  	[sflag:s11] =	ssyncset.done $0x0  }
0xab: {  	[sflag:s11] =	ssyncadd.s32 $0xFFFFD800  }
0xac: {  	[spmem:s3] =	stream.indirect.scatter.add.f32 [tilespmem:s28], [sflag:$0x9], $0x80, s25, s12, $0xb8;
	[tilespmem:$0x1E200] =	vst v63  }
0xad: {  	_ =	swait.ge [sflag:s24], $0x2800  }
0xae: {  	[sflag:s24] =	ssyncset.done $0x0  }
0xaf: {  	s20 =	rddreg [dreg:$0x10];
	[sflag:s24] =	ssyncadd.s32 $0xFFFFD800  }
0xb0: {  	[tilespmem:s25], [sflag:$0x1] =	stream.linear.gather [hbm4b:s20+s4], $0x50, $0x38;
	[tilespmem:$0x1E200] =	vst v63  }
0xb1: {  	_ =	swait.ge [sflag:s26], $0x50  }
0xb2: {  	[sflag:s26] =	ssyncset.done $0x0  }
0xb3: {  	s21 =	rddreg [dreg:$0x11];
	[sflag:s26] =	ssyncadd.s32 $0xFFFFFFB0  }
0xb4: {  	[tilespmem:s28], [sflag:$0x5] =	stream.linear.gather [hbm4b:s21+s4], $0x2800, $0x38;
	[tilespmem:$0x1E200] =	vst v63  }
0xb5: {  	_ =	swait.ge [sflag:s8], $0x2800  }
0xb6: {  	[sflag:s8] =	ssyncset.done $0x0  }
0xb7: {  	[sflag:s8] =	ssyncadd.s32 $0xFFFFD800  }
0xb8: {  	[spmem:s3] =	stream.indirect.scatter.add.f32 [tilespmem:s31], [sflag:$0x9], $0x80, s29, s12, $0xb8;
	[tilespmem:$0x1E200] =	vst v63  }
0xb9: {  	_ =	swait.ge [sflag:s24], $0x2800  }
0xba: {  	[sflag:s24] =	ssyncset.done $0x0  }
0xbb: {  	[sflag:s24] =	ssyncadd.s32 $0xFFFFD800  }
0xbc: {  	_ =	swait.ge [sflag:s13], $0x2800  }
0xbd: {  	[sflag:s13] =	ssyncset.done $0x0  }
0xbe: {  	[sflag:s13] =	ssyncadd.s32 $0xFFFFD800  }
0xbf: {  	[spmem:s3] =	stream.indirect.scatter.add.f32 [tilespmem:s5], [sflag:$0x9], $0x80, s0, s12, $0xb8;
	[tilespmem:$0x1E200] =	vst v63  }
0xc0: {  	_ =	swait.ge [sflag:s24], $0x2800  }
0xc1: {  	[sflag:s24] =	ssyncset.done $0x0  }
0xc2: {  	[sflag:s24] =	ssyncadd.s32 $0xFFFFD800  }
0xc3: {  	_ =	swait.ge [sflag:s14], $0x2800  }
0xc4: {  	[sflag:s14] =	ssyncset.done $0x0  }
0xc5: {  	[sflag:s14] =	ssyncadd.s32 $0xFFFFD800  }
0xc6: {  	[spmem:s3] =	stream.indirect.scatter.add.f32 [tilespmem:s10], [sflag:$0x9], $0x80, s6, s12, $0xb8;
	[tilespmem:$0x1E200] =	vst v63  }
0xc7: {  	_ =	swait.ge [sflag:s24], $0x2800  }
0xc8: {  	[sflag:s24] =	ssyncset.done $0x0  }
0xc9: {  	[sflag:s24] =	ssyncadd.s32 $0xFFFFD800  }
0xca: {  	_ =	swait.ge [sflag:s11], $0x2800  }
0xcb: {  	[sflag:s11] =	ssyncset.done $0x0  }
0xcc: {  	[sflag:s11] =	ssyncadd.s32 $0xFFFFD800  }
0xcd: {  	[spmem:s3] =	stream.indirect.scatter.add.f32 [tilespmem:s28], [sflag:$0x9], $0x80, s25, s12, $0xb8;
	[tilespmem:$0x1E200] =	vst v63  }
0xce: {  	_ =	swait.ge [sflag:s24], $0x2800  }
0xcf: {  	[sflag:s24] =	ssyncset.done $0x0  }
0xd0: {  	[sflag:s24] =	ssyncadd.s32 $0xFFFFD800  }
0xd1: {  	[bflag:$0x0] =	sbarrier.arrive $0xFFFF  }
0xd2: {  	s17 =	rddreg [dreg:$0x7]  }
0xd3: {  	s22 =	rddreg [dreg:$0x12]  }
0xd4: {  	[hbm:s22], [sflag:s17] =	dma.local [spmem:s16], $0x2800  }
0xd5: {  	_ =	swait.ge [sflag:s24], $0x2800  }
0xd6: {  	s15 =	sadd.s32 $0x1, s15;
	s23 =	rddreg [dreg:$0x13]  }
0xd7: {  	p0 =	sne.s32 s15, s23  }
.Ltmp1:
0xd8: {  	_ = 	snop;
	(pc) =	sbr.rel @p0 .LBB2_1-.Ltmp1, $3  }
0xd9: {  	_ =	sdelay $0x1  }
0xda: {  	[sflag:s24] =	ssyncset.done $0x0  }
0xdb: {  	[sflag:s24] =	ssyncadd.s32 $0xFFFFD800  }
0xdc: {  	_ =	sfence.sel $0x180000  }
0xdd: {  	[bflag:$0x0] =	sbarrier.arrive $0xFFFF  }
0xde: {  	_ =	strace $0x9000004A  }
0xdf: {  	s0 =	stileid.u32;
	[bflag:$0x2] =	sbarrier.arrive $0xFFFF  }
0xe0: {  	p0 =	sne.s32 s0, $0x0;
	s0 =	rddreg [dreg:$0x3]  }
0xe1: {  	s0 =	sadd.s32 @!p0 $0x100000, s0  }
0xe2: {  	[sflag:s0] =	ssyncadd.tile.s32 @!p0 $0x1;
	_ =	shalt  }
.Lfunc_end2:
_tile_overlayer_lowered:
.L_overlay_start_2:
0xe3: {  	(tag) =	ssettag $0x2  }
0xe4: {  	s0 =	rddreg [dreg:$0x0];
	s2 =	stileid.u32  }
0xe5: {  	s1 =	rddreg [dreg:$0x1];
	p0 =	sne.s32 s2, $0x0  }
0xe6: {  	s3 =	rddreg [dreg:$0x2];
	[bflag:$0x3] =	sbarrier.arrive $0xFFFF;
	s2 =	simm.s32 @!p0 $0x1C09  }
0xe7: {  	[timem:s3], [sflag:s2] =	dma.local @!p0 [hbm:s0], s1  }
0xe8: {  	s0 =	simm.s32 @!p0 $0x9  }
0xe9: {  	_ =	swait.ge @!p0 [sflag:s0], s1  }
0xea: {  	s1 =	ssub.s32 @!p0 $0x0, s1;
	[sflag:s0] =	ssyncset.done @!p0 $0x0  }
0xeb: {  	[sflag:s0] =	ssyncadd.s32 @!p0 s1  }
0xec: {  	[bflag:$0x3] =	sbarrier.arrive $0xFFFF  }
0xed: {  	_ =	shalt  }

// kernel: kernel.7.cloned.1.call-start
scs
__scs_entry_jumppad:
0x0: {  	(pc) =	sbr.rel $0x88, $3  }
0x1: {  	(tag) =	ssettag $0x0;
	lr =	simm.s32 $0x1  }
0x2: {  	[smem:$0x3F95] =	sst lr;
	_ =	strace $0xD0000000  }
0x3: {  	_ = 	snop  }
0x4: {  	_ = 	snop  }
0x5: {  	_ = 	snop  }
0x6: {  	_ = 	snop  }
0x7: {  	_ = 	snop  }
__scs_overlays_trampoline_lowered:
0x8: {  	[smem:$0x3FA4] =	sst s0  }
0x9: {  	[smem:$0x3FA5] =	sst s1  }
0xa: {  	[smem:$0x3FA6] =	sst s2  }
0xb: {  	[smem:$0x3FA7] =	sst s3  }
0xc: {  	[smem:$0x3FA8] =	sst s4  }
0xd: {  	[smem:$0x3FA9] =	sst s5  }
0xe: {  	[smem:$0x3FAA] =	sst s6  }
0xf: {  	[smem:$0x3FAB] =	sst s7  }
0x10: {  	[smem:$0x3FAC] =	sst s8  }
0x11: {  	[smem:$0x3FAD] =	sst s9;
	s0 =	simm.s32 @!p0 $0x0  }
0x12: {  	s1 =	sld [smem:$0x3F93];
	s0 =	simm.s32 @p0 $0x1  }
0x13: {  	[smem:$0x3FAE] =	sst s0;
	s0 =	simm.s32 @!p1 $0x0  }
0x14: {  	s2 =	sld [smem:$0x3F92];
	s0 =	simm.s32 @p1 $0x1  }
0x15: {  	[smem:$0x3FAF] =	sst s0;
	s0 =	simm.s32 @!p2 $0x0  }
0x16: {  	s3 =	sld [smem:$0x3FDB];
	s0 =	simm.s32 @p2 $0x1  }
0x17: {  	s4 =	simm.s32 $0x1BF5;
	[smem:$0x3FB1] =	sst s0  }
0x18: {  	s0 =	sld [smem:$0x3F94];
	_ =	swait.ge [sflag:s4], $0x0  }
0x19: {  	s7 =	sld [smem:$0x3F95]  }
0x1a: {  	s8 =	sadd.s32 $0xFFFFE003, lr  }
0x1b: {  	s9 =	sadd.s32 $0xFFFFFEF7, lr;
	s5 =	simm.s32 $0xFFFFFFFF;
	p2 =	slt.u32 s8, $0xFFFFF086  }
0x1c: {  	p1 =	slt.u32 s9, $0xF7A;
	s5 =	simm.s32 @!p2 $0x0  }
0x1d: {  	s5 =	simm.s32 @p1 $0x1;
	p0 =	seq.s32 s7, s2  }
0x1e: {  	s7 =	smul.u32 @!p0 $0xF7A, s2;
	p2 =	seq.s32 @!p0 s5, $0x0  }
0x1f: {  	s9 =	smul.u32 $0xF7A, s1;
	s8 =	simm.s32 @!p0 $0x1BF5;
	p2 =	por !p2, p0  }
0x20: {  	[sflag:s8] =	ssyncset.s32 @!p0 $0xFFFFF086;
	s6 =	sadd.s32 @!p0 s3, s7;
	s7 =	simm.s32 @!p0 $0x108  }
0x21: {  	s3 =	sadd.s32 s3, s9;
	s6 =	sadd.s32 @!p0 $0x88, s6;
	s7 =	simm.s32 @p2 $0x1082  }
0x22: {  	[simem:s7], [sflag:s8] =	dma.local @!p0 [hbm:s6], $0xF7A  }
0x23: {  	s9 =	sor.u32 $0xD0000000, s2;
	s6 =	simm.s32 $0x108;
	_ =	swait.ge @!p0 [sflag:s8], $0x0  }
0x24: {  	s3 =	sadd.s32 $0x88, s3;
	s6 =	simm.s32 @!p1 $0x1082;
	[sflag:s4] =	ssyncset.s32 $0xFFFFF086  }
0x25: {  	[simem:s6], [sflag:s4] =	dma.local [hbm:s3], $0xF7A  }
0x26: {  	[smem:$0x3F95] =	sst s1;
	(tag) =	ssettag s2;
	_ =	strace s9  }
0x27: {  	s1 =	sld [smem:$0x3FA5]  }
0x28: {  	s2 =	sld [smem:$0x3FA6]  }
0x29: {  	s4 =	sld [smem:$0x3FA8]  }
0x2a: {  	p0 =	seq.s32 s5, $0x0;
	s5 =	sld [smem:$0x3FA9]  }
0x2b: {  	s6 =	sld [smem:$0x3FAA]  }
0x2c: {  	s7 =	sld [smem:$0x3FAB]  }
0x2d: {  	s3 =	simm.s32 $0x108;
	s8 =	sld [smem:$0x3FAC]  }
0x2e: {  	s3 =	simm.s32 @!p0 $0x1082;
	s9 =	sld [smem:$0x3FAD]  }
0x2f: {  	lr =	sadd.s32 s0, s3;
	s0 =	sld [smem:$0x3FA4]  }
0x30: {  	s3 =	sld [smem:$0x3FA7]  }
0x31: {  	[smem:$0x3FB0] =	sst s10  }
0x32: {  	s10 =	sld [smem:$0x3FAE];
	_ =	sdelay $0x3  }
0x33: {  	p0 =	seq.s32 s10, $0x1;
	s10 =	sld [smem:$0x3FB0];
	_ =	sdelay $0x3  }
0x34: {  	[smem:$0x3FB0] =	sst s10  }
0x35: {  	s10 =	sld [smem:$0x3FAF];
	_ =	sdelay $0x3  }
0x36: {  	p1 =	seq.s32 s10, $0x1;
	s10 =	sld [smem:$0x3FB0];
	_ =	sdelay $0x3  }
0x37: {  	[smem:$0x3FB0] =	sst s10  }
0x38: {  	s10 =	sld [smem:$0x3FB1]  }
0x39: {  	_ = 	snop;
	(pc) =	sbr.ind lr, $3  }
0x3a: {  	_ = 	snop  }
0x3b: {  	_ = 	snop  }
0x3c: {  	p2 =	seq.s32 s10, $0x1;
	s10 =	sld [smem:$0x3FB0]  }
0x3d: {  	_ =	shalt  }
0x3e: {  	_ =	shalt  }
0x3f: {  	_ =	shalt  }
0x40: {  	_ =	shalt  }
0x41: {  	_ =	shalt  }
0x42: {  	_ =	shalt  }
0x43: {  	_ =	shalt  }
0x44: {  	_ =	shalt  }
0x45: {  	_ =	shalt  }
0x46: {  	_ =	shalt  }
0x47: {  	_ =	shalt  }
0x48: {  	_ =	shalt  }
0x49: {  	_ =	shalt  }
0x4a: {  	_ =	shalt  }
0x4b: {  	_ =	shalt  }
0x4c: {  	_ =	shalt  }
0x4d: {  	_ =	shalt  }
0x4e: {  	_ =	shalt  }
0x4f: {  	_ =	shalt  }
0x50: {  	_ =	shalt  }
0x51: {  	_ =	shalt  }
0x52: {  	_ =	shalt  }
0x53: {  	_ =	shalt  }
0x54: {  	_ =	shalt  }
0x55: {  	_ =	shalt  }
0x56: {  	_ =	shalt  }
0x57: {  	_ =	shalt  }
0x58: {  	_ =	shalt  }
0x59: {  	_ =	shalt  }
0x5a: {  	_ =	shalt  }
0x5b: {  	_ =	shalt  }
0x5c: {  	_ =	shalt  }
0x5d: {  	_ =	shalt  }
0x5e: {  	_ =	shalt  }
0x5f: {  	_ =	shalt  }
0x60: {  	_ =	shalt  }
0x61: {  	_ =	shalt  }
0x62: {  	_ =	shalt  }
0x63: {  	_ =	shalt  }
0x64: {  	_ =	shalt  }
0x65: {  	_ =	shalt  }
0x66: {  	_ =	shalt  }
0x67: {  	_ =	shalt  }
0x68: {  	_ =	shalt  }
0x69: {  	_ =	shalt  }
0x6a: {  	_ =	shalt  }
0x6b: {  	_ =	shalt  }
0x6c: {  	_ =	shalt  }
0x6d: {  	_ =	shalt  }
0x6e: {  	_ =	shalt  }
0x6f: {  	_ =	shalt  }
0x70: {  	_ =	shalt  }
0x71: {  	_ =	shalt  }
0x72: {  	_ =	shalt  }
0x73: {  	_ =	shalt  }
0x74: {  	_ =	shalt  }
0x75: {  	_ =	shalt  }
0x76: {  	_ =	shalt  }
0x77: {  	_ =	shalt  }
0x78: {  	_ =	shalt  }
0x79: {  	_ =	shalt  }
0x7a: {  	_ =	shalt  }
0x7b: {  	_ =	shalt  }
0x7c: {  	_ =	shalt  }
0x7d: {  	_ =	shalt  }
0x7e: {  	_ =	shalt  }
0x7f: {  	_ =	shalt  }
0x80: {  	_ =	shalt  }
0x81: {  	_ =	shalt  }
0x82: {  	_ =	shalt  }
0x83: {  	_ =	shalt  }
0x84: {  	_ =	shalt  }
0x85: {  	_ =	shalt  }
0x86: {  	_ =	shalt  }
0x87: {  	_ =	shalt  }
.Lfunc_end0:
.L_simem_size_0:
called_computation_lowered:
.L_overlay_start_0:
0x88: {  	s2 =	sld [smem:$0x3FD9]  }
0x89: {  	s3 =	sld [smem:$0x3FFE];
	_ =	sdelay $0x1  }
0x8a: {  	s1 =	srdreg.scid  }
0x8b: {  	s0 =	sand.u32 $0x1, s1  }
0x8c: {  	s17 =	sshll.u32 s0, $0xA;
	s2 =	sadd.s32 s3, s2  }
0x8d: {  	s2 =	sadd.s32 s2, s17  }
0x8e: {  	[smem:$0x3FBC] =	sst s2  }
0x8f: {  	_ = 	snop  }
0x90: {  	s2 =	sld [smem:$0x3FC7]  }
0x91: {  	s18 =	sld [smem:$0x3FC6]  }
0x92: {  	s4 =	sld [smem:$0x3FD0];
	(tm) =	ssettm $0x1  }
0x93: {  	s5 =	sld [smem:$0x3FFB];
	_ =	sdelay $0x3  }
0x94: {  	_ =	strace s5  }
0x95: {  	s5 =	sld [smem:$0x3FFC];
	_ =	sdelay $0x3  }
0x96: {  	_ =	strace s5  }
0x97: {  	s5 =	sld [smem:$0x3FFD];
	_ =	sdelay $0x3  }
0x98: {  	_ =	strace s5  }
0x99: {  	_ =	strace $0x8FFFFFFF  }
0x9a: {  	s19 =	sld [smem:$0x3FDB];
	_ =	sdelay $0x1  }
0x9b: {  	s6 =	simm.s32 $_scs_section_size  }
0x9c: {  	s7 =	simm.s32 $_size__tile_overlayer_lowered;
	s8 =	simm.s32 $_tile_overlayer_lowered  }
0x9d: {  	s22 =	simm.s32 $0x1BFF;
	s21 =	sshll.u32 s8, $0x1;
	s5 =	sadd.s32 s6, s19  }
0x9e: {  	s9 =	simm.s32 $0x0;
	s20 =	sshll.u32 s7, $0x1;
	s7 =	sadd.s32 s21, s5  }
0x9f: {  	[timem:s9], [sflag:s22] =	dma.local [hbm:s7], s20  }
0xa0: {  	_ =	swait.ge [sflag:s22], s20  }
0xa1: {  	s6 =	ssub.s32 $0x0, s20;
	[sflag:s22] =	ssyncset.done $0x0  }
0xa2: {  	[sflag:s22] =	ssyncadd.s32 s6;
	_ =	sdelay $0x1  }
0xa3: {  	s23 =	simm.s32 $0x1B8B  }
0xa4: {  	_ =	swait.ge [sflag:s23], $0x1  }
0xa5: {  	[sflag:s23] =	ssyncset.done $0x0  }
0xa6: {  	s25 =	simm.s32 $0x1B8E;
	s24 =	sld [smem:$0x3FFE];
	[sflag:s23] =	ssyncadd.s32 $0xFFFFFFFF  }
0xa7: {  	s26 =	simm.s32 $execute0_lowered;
	[smem:$0x3FD2] =	sst s25  }
0xa8: {  	s7 =	sshll.u32 s26, $0x1;
	_ =	strace $0x80000046;
	[dreg:$0x1] =	wrdreg $0xFFFFFFFF  }
0xa9: {  	s28 =	simm.s32 $_size_execute0_lowered;
	s5 =	sadd.s32 s5, s7;
	[dreg:$0x0] =	wrdreg $0x0  }
0xaa: {  	s7 =	sshll.u32 s28, $0x1;
	[dreg:$0x2] =	wrdreg s5  }
0xab: {  	[dreg:$0x3] =	wrdreg s7  }
0xac: {  	[dreg:$0x4] =	wrdreg $0xC0  }
0xad: {  	_ =	task [dreg:s9], $0x5FFFF  }
0xae: {  	[dreg:$0x1] =	wrdreg $0xFFFFFFFF  }
0xaf: {  	[dreg:$0x0] =	wrdreg $0x60  }
0xb0: {  	[dreg:$0x2] =	wrdreg s4  }
0xb1: {  	[dreg:$0x3] =	wrdreg s2  }
0xb2: {  	[dreg:$0x4] =	wrdreg s18  }
0xb3: {  	[dreg:$0x5] =	wrdreg s24  }
0xb4: {  	[dreg:$0x6] =	wrdreg $0x0  }
0xb5: {  	[dreg:$0x7] =	wrdreg $0x9  }
0xb6: {  	_ =	task.clear_ibuf [dreg:s9], $0x8FFFF;
	_ =	strace $0x90000046  }
0xb7: {  	s29 =	simm.s32 $0x9;
	_ =	strace $0x80000048  }
0xb8: {  	_ =	swait.ge [sflag:s29], $0x1  }
0xb9: {  	[sflag:s29] =	ssyncadd.s32 $0xFFFFFFFF  }
0xba: {  	_ =	strace $0x90000048  }
0xbb: {  	_ =	sfence  }
0xbc: {  	s30 =	sld [smem:$0x0];
	_ =	sdelay $0x2  }
0xbd: {  	s31 =	sshll.u32 s1, $0xD;
	s1 =	sshrl.u32 s1, $0x2  }
0xbe: {  	s3 =	sand.u32 $0x4000, s31;
	s1 =	sadd.s32 s1, s30  }
0xbf: {  	s0 =	sor.u32 s3, s0;
	s1 =	sshll.u32 s1, $0x11  }
0xc0: {  	s0 =	sor.u32 s1, s0  }
0xc1: {  	s0 =	sadd.s32 $0x8F2B, s0  }
0xc2: {  	[sflag:s0] =	ssyncadd.remote.s32 $0x1  }
0xc3: {  	_ =	sfence.sel $0xFFFF  }
0xc4: {  	[dreg:$0x0] =	wrdreg $0xFFFFFFFF;
	(pc) =	sbr.abs _section_cstart, $3  }
0xc5: {  	[dreg:$0x1] =	wrdreg $0xFFFFFFFF  }
0xc6: {  	_ =	task.clear_ibuf [dreg:s9], $0x2FFFF;
	_ =	strace $0x9FFFFFFF  }
0xc7: {  	(tm) =	ssettm $0x7FFFFFFF  }
tec
execute0_lowered:
.L_overlay_start_1:
0x0: {  	(tag) =	ssettag $0x1  }
0x1: {  	s1 =	rddreg [dreg:$0x0]  }
0x2: {  	s3 =	rddreg [dreg:$0x1]  }
0x3: {  	s12 =	rddreg [dreg:$0x2]  }
0x4: {  	s2 =	stileid.u32;
	s4 =	rddreg [dreg:$0x3]  }
0x5: {  	s0 =	srdreg.scid;
	s5 =	rddreg [dreg:$0x4];
	s6 =	simm.s32 $0x0  }
0x6: {  	s28 =	simm.s32 $0x50;
	s29 =	simm.s32 $0x14080;
	s7 =	smul.u32 $0x14000, s2  }
0x7: {  	s31 =	simm.s32 $0x14280;
	s30 =	simm.s32 $0x14400;
	s11 =	smul.u32 $0x50000, s2  }
0x8: {  	s0 =	sand.u32 $0x1, s0;
	[smem:$0x7FF] =	sst s6;
	s22 =	smul.u32 $0x2710, s2  }
0x9: {  	s18 =	sshll.u32 s2, $0x6;
	s8 =	smul.u32 $0x140000, s0;
	_ =	strace $0x80000047  }
0xa: {  	s14 =	ssub.s32 $0x2, s0;
	s10 =	sshll.u32 s0, $0x4;
	s20 =	sor.u32 $0x1C09, s18  }
0xb: {  	s0 =	smul.u32 $0x27100, s0;
	s9 =	sshrl.u32 s7, $0x3;
	s15 =	sshrl.u32 s14, $0x1  }
0xc: {  	s10 =	sor.u32 s2, s10;
	s17 =	sshrl.u32 s11, $0x2;
	s2 =	smov.u32 s12  }
0xd: {  	[dreg:$0xe] =	wrdreg s20;
	s7 =	sadd.s32 s7, s8;
	s13 =	sadd.s32 s9, s4  }
0xe: {  	s16 =	smul.u32 $0x2710, s10;
	s10 =	sadd.s32 s17, s5;
	s0 =	sadd.s32 s22, s0  }
0xf: {  	s7 =	sshrl.u32 s7, $0x3;
	[dreg:$0xc] =	wrdreg s10;
	s8 =	sadd.s32 $0x3400, s13  }
0x10: {  	s10 =	sadd.s32 $0x230, s0;
	s4 =	sadd.s32 s7, s4;
	s7 =	ssub.s32 s14, s15  }
0x11: {  	[dreg:$0xd] =	wrdreg s8;
	s19 =	sshrl.u32 s16, $0x3;
	s15 =	sshrl.u32 s10, $0x3  }
0x12: {  	s16 =	sadd.s32 $0x1E0, s0;
	s9 =	sadd.s32 s12, s19;
	s21 =	sadd.s32 $0xA, s19  }
0x13: {  	s23 =	sadd.s32 s3, s19;
	s25 =	sadd.s32 $0x14, s19;
	[dreg:$0xf] =	wrdreg s9  }
0x14: {  	s13 =	sadd.s32 $0x1E, s19;
	s10 =	sadd.s32 s15, s3;
	[dreg:$0x10] =	wrdreg s23  }
0x15: {  	s8 =	sadd.s32 $0x4D8, s19;
	s4 =	sadd.s32 $0x2B400, s4;
	[dreg:$0x6] =	wrdreg s10  }
0x16: {  	s19 =	sadd.s32 $0x190, s0;
	s0 =	sadd.s32 $0x140, s0;
	[dreg:$0x19] =	wrdreg s4  }
0x17: {  	s17 =	sshrl.u32 s16, $0x3;
	s24 =	sadd.s32 s12, s21;
	[dreg:$0x1b] =	wrdreg s0  }
0x18: {  	s16 =	simm.s32 $0x5;
	s9 =	sadd.s32 s3, s21;
	[dreg:$0x11] =	wrdreg s24  }
0x19: {  	s26 =	sadd.s32 s12, s25;
	s11 =	sadd.s32 s3, s25;
	[dreg:$0x12] =	wrdreg s9  }
0x1a: {  	s14 =	sadd.s32 s12, s13;
	s18 =	sadd.s32 s17, s3;
	[dreg:$0x13] =	wrdreg s26  }
0x1b: {  	s21 =	sadd.s32 s17, s12;
	s22 =	sshrl.u32 s19, $0x3;
	[dreg:$0x14] =	wrdreg s11  }
0x1c: {  	s23 =	sadd.s32 s12, s8;
	s8 =	sadd.s32 s3, s8;
	[dreg:$0x15] =	wrdreg s14  }
0x1d: {  	s4 =	simm.s32 $0x2;
	s0 =	simm.s32 $0x16C00;
	[dreg:$0x8] =	wrdreg s18  }
0x1e: {  	s10 =	simm.s32 $0x3;
	s17 =	simm.s32 $0x6;
	[dreg:$0x17] =	wrdreg s23  }
0x1f: {  	s19 =	simm.s32 $0x8;
	s9 =	sadd.s32 s3, s13;
	[dreg:$0x9] =	wrdreg s21  }
0x20: {  	s24 =	sadd.s32 s22, s3;
	[dreg:$0x18] =	wrdreg s8;
	s25 =	sadd.s32 s22, s12  }
0x21: {  	s26 =	smax.u32 s7, $0x1;
	s23 =	simm.s32 $0x9;
	s7 =	simm.s32 $0x14100  }
0x22: {  	s8 =	simm.s32 $0x14300;
	s11 =	simm.s32 $0x19400;
	[dreg:$0x16] =	wrdreg s9  }
0x23: {  	s13 =	simm.s32 $0x14380;
	s14 =	simm.s32 $0x4;
	[dreg:$0xa] =	wrdreg s24  }
0x24: {  	s18 =	simm.s32 $0x7;
	s21 =	simm.s32 $0x0;
	[dreg:$0x1a] =	wrdreg s26  }
0x25: {  	s9 =	sadd.s32 s15, s12;
	[dreg:$0xb] =	wrdreg s25;
	s26 =	simm.s32 $0x1  }
0x26: {  	s12 =	simm.s32 $0x14180;
	s15 =	simm.s32 $0x1BC00;
	[dreg:$0x7] =	wrdreg s9  }
.LBB2_1:
0x27: {  	[dreg:$0x1c] =	wrdreg s21  }
0x28: {  	s9 =	rddreg [dreg:$0xc]  }
0x29: {  	s22 =	rddreg [dreg:$0xd];
	s9 =	sshrl.u32 s9, $0x3  }
0x2a: {  	[dreg:$0x1d] =	wrdreg s9  }
0x2b: {  	[spmem:s9], [sflag:s20] =	dma.local [hbm:s22], $0x2800  }
0x2c: {  	_ =	swait.ge [sflag:s23], $0x2800  }
0x2d: {  	[sflag:s23] =	ssyncset.done $0x0  }
0x2e: {  	[sflag:s23] =	ssyncadd.s32 $0xFFFFD800  }
0x2f: {  	[bflag:$0x0] =	sbarrier.arrive $0xFFFF  }
0x30: {  	s22 =	simm.s32 $0x14000;
	s24 =	rddreg [dreg:$0xf]  }
0x31: {  	[tilespmem:s22], [sflag:$0x1] =	stream.linear.gather [hbm4b:s24+s6], $0x50, $0x38;
	[tilespmem:$0x1E400] =	vst v63  }
0x32: {  	s25 =	rddreg [dreg:$0x10];
	s24 =	simm.s32 $0x14200  }
0x33: {  	[tilespmem:s24], [sflag:$0x1] =	stream.linear.gather [hbm4b:s25+s6], $0x50, $0x38;
	[tilespmem:$0x1E400] =	vst v63  }
0x34: {  	_ =	swait.ge [sflag:s26], $0x50  }
0x35: {  	[sflag:s26] =	ssyncset.done $0x0  }
0x36: {  	[sflag:s26] =	ssyncadd.s32 $0xFFFFFFB0  }
0x37: {  	_ =	swait.ge [sflag:s26], $0x50  }
0x38: {  	[sflag:s26] =	ssyncset.done $0x0  }
0x39: {  	s25 =	simm.s32 $0x14400;
	[sflag:s26] =	ssyncadd.s32 $0xFFFFFFB0  }
0x3a: {  	[tilespmem:s25], [sflag:$0x5] =	stream.indirect.gather [hbm4b:s1+s28], $0x80, s22, s28, $0xb8;
	[tilespmem:$0x1E400] =	vst v63  }
0x3b: {  	s20 =	rddreg [dreg:$0x11]  }
0x3c: {  	[tilespmem:s29], [sflag:$0x2] =	stream.linear.gather [hbm4b:s20+s6], $0x50, $0x38;
	[tilespmem:$0x1E400] =	vst v63  }
0x3d: {  	s21 =	rddreg [dreg:$0x12]  }
0x3e: {  	[tilespmem:s31], [sflag:$0x2] =	stream.linear.gather [hbm4b:s21+s6], $0x50, $0x38;
	[tilespmem:$0x1E400] =	vst v63  }
0x3f: {  	_ =	swait.ge [sflag:s4], $0x50  }
0x40: {  	[sflag:s4] =	ssyncset.done $0x0  }
0x41: {  	[sflag:s4] =	ssyncadd.s32 $0xFFFFFFB0  }
0x42: {  	_ =	swait.ge [sflag:s4], $0x50  }
0x43: {  	[sflag:s4] =	ssyncset.done $0x0  }
0x44: {  	[sflag:s4] =	ssyncadd.s32 $0xFFFFFFB0  }
0x45: {  	[tilespmem:s0], [sflag:$0x6] =	stream.indirect.gather [hbm4b:s1+s28], $0x80, s29, s28, $0xb8;
	[tilespmem:$0x1E400] =	vst v63  }
0x46: {  	s20 =	rddreg [dreg:$0x13]  }
0x47: {  	[tilespmem:s7], [sflag:$0x3] =	stream.linear.gather [hbm4b:s20+s6], $0x50, $0x38;
	[tilespmem:$0x1E400] =	vst v63  }
0x48: {  	s21 =	rddreg [dreg:$0x14]  }
0x49: {  	[tilespmem:s8], [sflag:$0x3] =	stream.linear.gather [hbm4b:s21+s6], $0x50, $0x38;
	[tilespmem:$0x1E400] =	vst v63  }
0x4a: {  	_ =	swait.ge [sflag:s10], $0x50  }
0x4b: {  	[sflag:s10] =	ssyncset.done $0x0  }
0x4c: {  	[sflag:s10] =	ssyncadd.s32 $0xFFFFFFB0  }
0x4d: {  	_ =	swait.ge [sflag:s10], $0x50  }
0x4e: {  	[sflag:s10] =	ssyncset.done $0x0  }
0x4f: {  	[sflag:s10] =	ssyncadd.s32 $0xFFFFFFB0  }
0x50: {  	[tilespmem:s11], [sflag:$0x7] =	stream.indirect.gather [hbm4b:s1+s28], $0x80, s7, s28, $0xb8;
	[tilespmem:$0x1E400] =	vst v63  }
0x51: {  	s20 =	rddreg [dreg:$0x15]  }
0x52: {  	[tilespmem:s12], [sflag:$0x4] =	stream.linear.gather [hbm4b:s20+s6], $0x50, $0x38;
	[tilespmem:$0x1E400] =	vst v63  }
0x53: {  	s21 =	rddreg [dreg:$0x16]  }
0x54: {  	[tilespmem:s13], [sflag:$0x4] =	stream.linear.gather [hbm4b:s21+s6], $0x50, $0x38;
	[tilespmem:$0x1E400] =	vst v63  }
0x55: {  	_ =	swait.ge [sflag:s14], $0x50  }
0x56: {  	[sflag:s14] =	ssyncset.done $0x0  }
0x57: {  	[sflag:s14] =	ssyncadd.s32 $0xFFFFFFB0  }
0x58: {  	_ =	swait.ge [sflag:s14], $0x50  }
0x59: {  	[sflag:s14] =	ssyncset.done $0x0  }
0x5a: {  	[sflag:s14] =	ssyncadd.s32 $0xFFFFFFB0  }
0x5b: {  	[tilespmem:s15], [sflag:$0x8] =	stream.indirect.gather [hbm4b:s1+s28], $0x80, s12, s28, $0xb8;
	[tilespmem:$0x1E400] =	vst v63  }
0x5c: {  	_ =	swait.ge [sflag:s16], $0x2800  }
0x5d: {  	[sflag:s16] =	ssyncset.done $0x0  }
0x5e: {  	[sflag:s16] =	ssyncadd.s32 $0xFFFFD800  }
0x5f: {  	[spmem:s5] =	stream.indirect.scatter.add.f32 [tilespmem:s25], [sflag:$0x9], $0x80, s24, s28, $0xb8;
	[tilespmem:$0x1E400] =	vst v63  }
0x60: {  	_ =	swait.ge [sflag:s23], $0x2800  }
0x61: {  	s20 =	rddreg [dreg:$0x1b]  }
0x62: {  	[sflag:s23] =	ssyncset.done $0x0;
	s9 =	sshrl.u32 s20, $0x3  }
0x63: {  	[sflag:s23] =	ssyncadd.s32 $0xFFFFD800;
	s21 =	sadd.s32 s2, s9  }
0x64: {  	[tilespmem:s22], [sflag:$0x1] =	stream.linear.gather [hbm4b:s21+s6], $0x50, $0x38;
	[tilespmem:$0x1E400] =	vst v63  }
0x65: {  	s9 =	sadd.s32 s3, s9  }
0x66: {  	[tilespmem:s24], [sflag:$0x1] =	stream.linear.gather [hbm4b:s9+s6], $0x50, $0x38;
	[tilespmem:$0x1E400] =	vst v63  }
0x67: {  	_ =	swait.ge [sflag:s26], $0x50  }
0x68: {  	[sflag:s26] =	ssyncset.done $0x0  }
0x69: {  	[sflag:s26] =	ssyncadd.s32 $0xFFFFFFB0  }
0x6a: {  	_ =	swait.ge [sflag:s26], $0x50  }
0x6b: {  	[sflag:s26] =	ssyncset.done $0x0  }
0x6c: {  	[sflag:s26] =	ssyncadd.s32 $0xFFFFFFB0  }
0x6d: {  	[tilespmem:s25], [sflag:$0x5] =	stream.indirect.gather [hbm4b:s1+s28], $0x80, s22, s28, $0xb8;
	[tilespmem:$0x1E400] =	vst v63  }
0x6e: {  	_ =	swait.ge [sflag:s17], $0x2800  }
0x6f: {  	[sflag:s17] =	ssyncset.done $0x0  }
0x70: {  	[sflag:s17] =	ssyncadd.s32 $0xFFFFD800  }
0x71: {  	[spmem:s5] =	stream.indirect.scatter.add.f32 [tilespmem:s0], [sflag:$0x9], $0x80, s31, s28, $0xb8;
	[tilespmem:$0x1E400] =	vst v63  }
0x72: {  	_ =	swait.ge [sflag:s23], $0x2800  }
0x73: {  	s22 =	rddreg [dreg:$0xb];
	[sflag:s23] =	ssyncset.done $0x0  }
0x74: {  	s24 =	rddreg [dreg:$0xa];
	[sflag:s23] =	ssyncadd.s32 $0xFFFFD800;
	s9 =	sadd.s32 $0x0, s22  }
0x75: {  	[tilespmem:s29], [sflag:$0x2] =	stream.linear.gather [hbm4b:s9+s6], $0x50, $0x38;
	[tilespmem:$0x1E400] =	vst v63  }
0x76: {  	s25 =	sadd.s32 $0x0, s24  }
0x77: {  	[tilespmem:s31], [sflag:$0x2] =	stream.linear.gather [hbm4b:s25+s6], $0x50, $0x38;
	[tilespmem:$0x1E400] =	vst v63  }
0x78: {  	_ =	swait.ge [sflag:s4], $0x50  }
0x79: {  	[sflag:s4] =	ssyncset.done $0x0  }
0x7a: {  	[sflag:s4] =	ssyncadd.s32 $0xFFFFFFB0  }
0x7b: {  	_ =	swait.ge [sflag:s4], $0x50  }
0x7c: {  	[sflag:s4] =	ssyncset.done $0x0  }
0x7d: {  	[sflag:s4] =	ssyncadd.s32 $0xFFFFFFB0  }
0x7e: {  	[tilespmem:s0], [sflag:$0x6] =	stream.indirect.gather [hbm4b:s1+s28], $0x80, s29, s28, $0xb8;
	[tilespmem:$0x1E400] =	vst v63  }
0x7f: {  	_ =	swait.ge [sflag:s18], $0x2800  }
0x80: {  	[sflag:s18] =	ssyncset.done $0x0  }
0x81: {  	[sflag:s18] =	ssyncadd.s32 $0xFFFFD800  }
0x82: {  	[spmem:s5] =	stream.indirect.scatter.add.f32 [tilespmem:s11], [sflag:$0x9], $0x80, s8, s28, $0xb8;
	[tilespmem:$0x1E400] =	vst v63  }
0x83: {  	_ =	swait.ge [sflag:s23], $0x2800  }
0x84: {  	s21 =	rddreg [dreg:$0x9];
	[sflag:s23] =	ssyncset.done $0x0  }
0x85: {  	s22 =	rddreg [dreg:$0x8];
	[sflag:s23] =	ssyncadd.s32 $0xFFFFD800;
	s9 =	sadd.s32 $0x0, s21  }
0x86: {  	[tilespmem:s7], [sflag:$0x3] =	stream.linear.gather [hbm4b:s9+s6], $0x50, $0x38;
	[tilespmem:$0x1E400] =	vst v63  }
0x87: {  	s24 =	sadd.s32 $0x0, s22  }
0x88: {  	[tilespmem:s8], [sflag:$0x3] =	stream.linear.gather [hbm4b:s24+s6], $0x50, $0x38;
	[tilespmem:$0x1E400] =	vst v63  }
0x89: {  	_ =	swait.ge [sflag:s10], $0x50  }
0x8a: {  	[sflag:s10] =	ssyncset.done $0x0  }
0x8b: {  	[sflag:s10] =	ssyncadd.s32 $0xFFFFFFB0  }
0x8c: {  	_ =	swait.ge [sflag:s10], $0x50  }
0x8d: {  	[sflag:s10] =	ssyncset.done $0x0  }
0x8e: {  	[sflag:s10] =	ssyncadd.s32 $0xFFFFFFB0  }
0x8f: {  	[tilespmem:s11], [sflag:$0x7] =	stream.indirect.gather [hbm4b:s1+s28], $0x80, s7, s28, $0xb8;
	[tilespmem:$0x1E400] =	vst v63  }
0x90: {  	_ =	swait.ge [sflag:s19], $0x2800  }
0x91: {  	[sflag:s19] =	ssyncset.done $0x0  }
0x92: {  	[sflag:s19] =	ssyncadd.s32 $0xFFFFD800  }
0x93: {  	[spmem:s5] =	stream.indirect.scatter.add.f32 [tilespmem:s15], [sflag:$0x9], $0x80, s13, s28, $0xb8;
	[tilespmem:$0x1E400] =	vst v63  }
0x94: {  	_ =	swait.ge [sflag:s23], $0x2800  }
0x95: {  	s25 =	rddreg [dreg:$0x7];
	[sflag:s23] =	ssyncset.done $0x0  }
0x96: {  	s29 =	rddreg [dreg:$0x6];
	[sflag:s23] =	ssyncadd.s32 $0xFFFFD800;
	s9 =	sadd.s32 $0x0, s25  }
0x97: {  	[tilespmem:s12], [sflag:$0x4] =	stream.linear.gather [hbm4b:s9+s6], $0x50, $0x38;
	[tilespmem:$0x1E400] =	vst v63  }
0x98: {  	s22 =	sadd.s32 $0x140, s20;
	s21 =	sadd.s32 $0x0, s29;
	s9 =	simm.s32 $0x28  }
.LBB2_2:
0x99: {  	[tilespmem:s13], [sflag:$0x4] =	stream.linear.gather [hbm4b:s21+s6], $0x50, $0x38;
	[tilespmem:$0x1E400] =	vst v63  }
0x9a: {  	_ =	swait.ge [sflag:s14], $0x50  }
0x9b: {  	[sflag:s14] =	ssyncset.done $0x0  }
0x9c: {  	[sflag:s14] =	ssyncadd.s32 $0xFFFFFFB0  }
0x9d: {  	_ =	swait.ge [sflag:s14], $0x50  }
0x9e: {  	[sflag:s14] =	ssyncset.done $0x0  }
0x9f: {  	[sflag:s14] =	ssyncadd.s32 $0xFFFFFFB0  }
0xa0: {  	[tilespmem:s15], [sflag:$0x8] =	stream.indirect.gather [hbm4b:s1+s28], $0x80, s12, s28, $0xb8;
	[tilespmem:$0x1E400] =	vst v63  }
0xa1: {  	_ =	swait.ge [sflag:s16], $0x2800  }
0xa2: {  	[sflag:s16] =	ssyncset.done $0x0  }
0xa3: {  	s29 =	simm.s32 $0x14200;
	[sflag:s16] =	ssyncadd.s32 $0xFFFFD800  }
0xa4: {  	[spmem:s5] =	stream.indirect.scatter.add.f32 [tilespmem:s30], [sflag:$0x9], $0x80, s29, s28, $0xb8;
	[tilespmem:$0x1E400] =	vst v63  }
0xa5: {  	_ =	swait.ge [sflag:s23], $0x2800  }
0xa6: {  	s20 =	sshrl.u32 s22, $0x3;
	s24 =	smov.u32 s2;
	[sflag:s23] =	ssyncset.done $0x0  }
0xa7: {  	s25 =	simm.s32 $0x14000;
	s2 =	sadd.s32 s2, s20;
	[sflag:s23] =	ssyncadd.s32 $0xFFFFD800  }
0xa8: {  	[tilespmem:s25], [sflag:$0x1] =	stream.linear.gather [hbm4b:s2+s6], $0x50, $0x38;
	[tilespmem:$0x1E400] =	vst v63  }
0xa9: {  	s20 =	sadd.s32 s3, s20  }
0xaa: {  	[tilespmem:s29], [sflag:$0x1] =	stream.linear.gather [hbm4b:s20+s6], $0x50, $0x38;
	[tilespmem:$0x1E400] =	vst v63  }
0xab: {  	_ =	swait.ge [sflag:s26], $0x50  }
0xac: {  	[sflag:s26] =	ssyncset.done $0x0  }
0xad: {  	[sflag:s26] =	ssyncadd.s32 $0xFFFFFFB0  }
0xae: {  	_ =	swait.ge [sflag:s26], $0x50  }
0xaf: {  	[sflag:s26] =	ssyncset.done $0x0  }
0xb0: {  	[sflag:s26] =	ssyncadd.s32 $0xFFFFFFB0  }
0xb1: {  	[tilespmem:s30], [sflag:$0x5] =	stream.indirect.gather [hbm4b:s1+s28], $0x80, s25, s28, $0xb8;
	[tilespmem:$0x1E400] =	vst v63  }
0xb2: {  	_ =	swait.ge [sflag:s17], $0x2800  }
0xb3: {  	[sflag:s17] =	ssyncset.done $0x0  }
0xb4: {  	[sflag:s17] =	ssyncadd.s32 $0xFFFFD800  }
0xb5: {  	[spmem:s5] =	stream.indirect.scatter.add.f32 [tilespmem:s0], [sflag:$0x9], $0x80, s31, s28, $0xb8;
	[tilespmem:$0x1E400] =	vst v63  }
0xb6: {  	s21 =	smov.u32 s9;
	_ =	swait.ge [sflag:s23], $0x2800  }
0xb7: {  	s29 =	simm.s32 $0x14080;
	s20 =	rddreg [dreg:$0xb];
	[sflag:s23] =	ssyncset.done $0x0  }
0xb8: {  	s25 =	rddreg [dreg:$0xa];
	[sflag:s23] =	ssyncadd.s32 $0xFFFFD800;
	s2 =	sadd.s32 s21, s20  }
0xb9: {  	[tilespmem:s29], [sflag:$0x2] =	stream.linear.gather [hbm4b:s2+s6], $0x50, $0x38;
	[tilespmem:$0x1E400] =	vst v63  }
0xba: {  	s25 =	sadd.s32 s21, s25  }
0xbb: {  	[tilespmem:s31], [sflag:$0x2] =	stream.linear.gather [hbm4b:s25+s6], $0x50, $0x38;
	[tilespmem:$0x1E400] =	vst v63  }
0xbc: {  	_ =	swait.ge [sflag:s4], $0x50  }
0xbd: {  	[sflag:s4] =	ssyncset.done $0x0  }
0xbe: {  	[sflag:s4] =	ssyncadd.s32 $0xFFFFFFB0  }
0xbf: {  	_ =	swait.ge [sflag:s4], $0x50  }
0xc0: {  	[sflag:s4] =	ssyncset.done $0x0  }
0xc1: {  	[sflag:s4] =	ssyncadd.s32 $0xFFFFFFB0  }
0xc2: {  	[tilespmem:s0], [sflag:$0x6] =	stream.indirect.gather [hbm4b:s1+s28], $0x80, s29, s28, $0xb8;
	[tilespmem:$0x1E400] =	vst v63  }
0xc3: {  	_ =	swait.ge [sflag:s18], $0x2800  }
0xc4: {  	[sflag:s18] =	ssyncset.done $0x0  }
0xc5: {  	[sflag:s18] =	ssyncadd.s32 $0xFFFFD800  }
0xc6: {  	[spmem:s5] =	stream.indirect.scatter.add.f32 [tilespmem:s11], [sflag:$0x9], $0x80, s8, s28, $0xb8;
	[tilespmem:$0x1E400] =	vst v63  }
0xc7: {  	_ =	swait.ge [sflag:s23], $0x2800  }
0xc8: {  	s20 =	rddreg [dreg:$0x9];
	[sflag:s23] =	ssyncset.done $0x0  }
0xc9: {  	s25 =	rddreg [dreg:$0x8];
	[sflag:s23] =	ssyncadd.s32 $0xFFFFD800;
	s2 =	sadd.s32 s21, s20  }
0xca: {  	[tilespmem:s7], [sflag:$0x3] =	stream.linear.gather [hbm4b:s2+s6], $0x50, $0x38;
	[tilespmem:$0x1E400] =	vst v63  }
0xcb: {  	s25 =	sadd.s32 s21, s25  }
0xcc: {  	[tilespmem:s8], [sflag:$0x3] =	stream.linear.gather [hbm4b:s25+s6], $0x50, $0x38;
	[tilespmem:$0x1E400] =	vst v63  }
0xcd: {  	_ =	swait.ge [sflag:s10], $0x50  }
0xce: {  	[sflag:s10] =	ssyncset.done $0x0  }
0xcf: {  	[sflag:s10] =	ssyncadd.s32 $0xFFFFFFB0  }
0xd0: {  	_ =	swait.ge [sflag:s10], $0x50  }
0xd1: {  	[sflag:s10] =	ssyncset.done $0x0  }
0xd2: {  	[sflag:s10] =	ssyncadd.s32 $0xFFFFFFB0  }
0xd3: {  	[tilespmem:s11], [sflag:$0x7] =	stream.indirect.gather [hbm4b:s1+s28], $0x80, s7, s28, $0xb8;
	[tilespmem:$0x1E400] =	vst v63  }
0xd4: {  	_ =	swait.ge [sflag:s19], $0x2800  }
0xd5: {  	[sflag:s19] =	ssyncset.done $0x0  }
0xd6: {  	p0 =	sne.s32 s9, $0x488;
	[sflag:s19] =	ssyncadd.s32 $0xFFFFD800  }
0xd7: {  	[spmem:s5] =	stream.indirect.scatter.add.f32 [tilespmem:s15], [sflag:$0x9], $0x80, s13, s28, $0xb8;
	[tilespmem:$0x1E400] =	vst v63  }
.Ltmp0:
0xd8: {  	_ =	swait.ge [sflag:s23], $0x2800;
	(pc) =	sbr.rel @p0 .LBB2_2-.Ltmp0, $4  }
0xd9: {  	s9 =	sadd.s32 $0x28, s9;
	s20 =	rddreg [dreg:$0x7];
	[sflag:s23] =	ssyncset.done $0x0  }
0xda: {  	s25 =	rddreg [dreg:$0x6];
	[sflag:s23] =	ssyncadd.s32 $0xFFFFD800;
	s2 =	sadd.s32 s21, s20  }
0xdb: {  	[tilespmem:s12], [sflag:$0x4] =	stream.linear.gather [hbm4b:s2+s6], $0x50, $0x38;
	[tilespmem:$0x1E400] =	vst v63  }
0xdc: {  	s22 =	sadd.s32 $0x140, s22;
	s21 =	sadd.s32 s21, s25;
	s2 =	smov.u32 s24  }
0xdd: {  	[tilespmem:s13], [sflag:$0x4] =	stream.linear.gather [hbm4b:s21+s6], $0x50, $0x38;
	[tilespmem:$0x1E400] =	vst v63  }
0xde: {  	_ =	swait.ge [sflag:s14], $0x50  }
0xdf: {  	[sflag:s14] =	ssyncset.done $0x0  }
0xe0: {  	[sflag:s14] =	ssyncadd.s32 $0xFFFFFFB0  }
0xe1: {  	_ =	swait.ge [sflag:s14], $0x50  }
0xe2: {  	[sflag:s14] =	ssyncset.done $0x0  }
0xe3: {  	[sflag:s14] =	ssyncadd.s32 $0xFFFFFFB0  }
0xe4: {  	[tilespmem:s15], [sflag:$0x8] =	stream.indirect.gather [hbm4b:s1+s28], $0x80, s12, s28, $0xb8;
	[tilespmem:$0x1E400] =	vst v63  }
0xe5: {  	_ =	swait.ge [sflag:s16], $0x2800  }
0xe6: {  	[sflag:s16] =	ssyncset.done $0x0  }
0xe7: {  	s24 =	simm.s32 $0x14200;
	s22 =	simm.s32 $0x14400;
	[sflag:s16] =	ssyncadd.s32 $0xFFFFD800  }
0xe8: {  	[spmem:s5] =	stream.indirect.scatter.add.f32 [tilespmem:s22], [sflag:$0x9], $0x80, s24, s28, $0xb8;
	[tilespmem:$0x1E400] =	vst v63  }
0xe9: {  	_ =	swait.ge [sflag:s23], $0x2800  }
0xea: {  	[sflag:s23] =	ssyncset.done $0x0  }
0xeb: {  	s20 =	simm.s32 $0x14000;
	s9 =	rddreg [dreg:$0x17];
	[sflag:s23] =	ssyncadd.s32 $0xFFFFD800  }
0xec: {  	[tilespmem:s20], [sflag:$0x1] =	stream.linear.gather [hbm4b:s9+s6], $0x50, $0x38;
	[tilespmem:$0x1E400] =	vst v63  }
0xed: {  	s25 =	rddreg [dreg:$0x18]  }
0xee: {  	[tilespmem:s24], [sflag:$0x1] =	stream.linear.gather [hbm4b:s25+s6], $0x50, $0x38;
	[tilespmem:$0x1E400] =	vst v63  }
0xef: {  	_ =	swait.ge [sflag:s26], $0x50  }
0xf0: {  	[sflag:s26] =	ssyncset.done $0x0  }
0xf1: {  	[sflag:s26] =	ssyncadd.s32 $0xFFFFFFB0  }
0xf2: {  	_ =	swait.ge [sflag:s26], $0x50  }
0xf3: {  	[sflag:s26] =	ssyncset.done $0x0  }
0xf4: {  	[sflag:s26] =	ssyncadd.s32 $0xFFFFFFB0  }
0xf5: {  	[tilespmem:s22], [sflag:$0x5] =	stream.indirect.gather [hbm4b:s1+s28], $0x80, s20, s28, $0xb8;
	[tilespmem:$0x1E400] =	vst v63  }
0xf6: {  	_ =	swait.ge [sflag:s17], $0x2800  }
0xf7: {  	[sflag:s17] =	ssyncset.done $0x0  }
0xf8: {  	[sflag:s17] =	ssyncadd.s32 $0xFFFFD800  }
0xf9: {  	[spmem:s5] =	stream.indirect.scatter.add.f32 [tilespmem:s0], [sflag:$0x9], $0x80, s31, s28, $0xb8;
	[tilespmem:$0x1E400] =	vst v63  }
0xfa: {  	_ =	swait.ge [sflag:s23], $0x2800  }
0xfb: {  	[sflag:s23] =	ssyncset.done $0x0  }
0xfc: {  	[sflag:s23] =	ssyncadd.s32 $0xFFFFD800  }
0xfd: {  	_ =	swait.ge [sflag:s18], $0x2800  }
0xfe: {  	[sflag:s18] =	ssyncset.done $0x0  }
0xff: {  	[sflag:s18] =	ssyncadd.s32 $0xFFFFD800  }
0x100: {  	[spmem:s5] =	stream.indirect.scatter.add.f32 [tilespmem:s11], [sflag:$0x9], $0x80, s8, s28, $0xb8;
	[tilespmem:$0x1E400] =	vst v63  }
0x101: {  	_ =	swait.ge [sflag:s23], $0x2800  }
0x102: {  	[sflag:s23] =	ssyncset.done $0x0  }
0x103: {  	[sflag:s23] =	ssyncadd.s32 $0xFFFFD800  }
0x104: {  	_ =	swait.ge [sflag:s19], $0x2800  }
0x105: {  	[sflag:s19] =	ssyncset.done $0x0  }
0x106: {  	[sflag:s19] =	ssyncadd.s32 $0xFFFFD800  }
0x107: {  	[spmem:s5] =	stream.indirect.scatter.add.f32 [tilespmem:s15], [sflag:$0x9], $0x80, s13, s28, $0xb8;
	[tilespmem:$0x1E400] =	vst v63  }
0x108: {  	_ =	swait.ge [sflag:s23], $0x2800  }
0x109: {  	[sflag:s23] =	ssyncset.done $0x0  }
0x10a: {  	[sflag:s23] =	ssyncadd.s32 $0xFFFFD800  }
0x10b: {  	_ =	swait.ge [sflag:s16], $0x2800  }
0x10c: {  	[sflag:s16] =	ssyncset.done $0x0  }
0x10d: {  	[sflag:s16] =	ssyncadd.s32 $0xFFFFD800  }
0x10e: {  	[spmem:s5] =	stream.indirect.scatter.add.f32 [tilespmem:s22], [sflag:$0x9], $0x80, s24, s28, $0xb8;
	[tilespmem:$0x1E400] =	vst v63  }
0x10f: {  	_ =	swait.ge [sflag:s23], $0x2800  }
0x110: {  	[sflag:s23] =	ssyncset.done $0x0  }
0x111: {  	[sflag:s23] =	ssyncadd.s32 $0xFFFFD800  }
0x112: {  	[bflag:$0x0] =	sbarrier.arrive $0xFFFF  }
0x113: {  	s20 =	rddreg [dreg:$0xe]  }
0x114: {  	s21 =	rddreg [dreg:$0x19]  }
0x115: {  	s22 =	rddreg [dreg:$0x1d]  }
0x116: {  	[hbm:s21], [sflag:s20] =	dma.local [spmem:s22], $0x2800  }
0x117: {  	_ =	swait.ge [sflag:s23], $0x2800  }
0x118: {  	s24 =	rddreg [dreg:$0x1c]  }
0x119: {  	s25 =	rddreg [dreg:$0x1a];
	s21 =	sadd.s32 $0x1, s24  }
0x11a: {  	p0 =	sne.s32 s21, s25  }
.Ltmp1:
0x11b: {  	_ = 	snop;
	(pc) =	sbr.rel @p0 .LBB2_1-.Ltmp1, $3  }
0x11c: {  	_ =	sdelay $0x1  }
0x11d: {  	[sflag:s23] =	ssyncset.done $0x0  }
0x11e: {  	[sflag:s23] =	ssyncadd.s32 $0xFFFFD800  }
0x11f: {  	_ =	sfence.sel $0x180000  }
0x120: {  	[bflag:$0x0] =	sbarrier.arrive $0xFFFF  }
0x121: {  	_ =	strace $0x90000047  }
0x122: {  	s0 =	stileid.u32;
	[bflag:$0x2] =	sbarrier.arrive $0xFFFF  }
0x123: {  	p0 =	sne.s32 s0, $0x0;
	s0 =	rddreg [dreg:$0x5]  }
0x124: {  	s0 =	sadd.s32 @!p0 $0x100000, s0  }
0x125: {  	[sflag:s0] =	ssyncadd.tile.s32 @!p0 $0x1;
	_ =	shalt  }
.Lfunc_end2:
_tile_overlayer_lowered:
.L_overlay_start_2:
0x126: {  	(tag) =	ssettag $0x2  }
0x127: {  	s0 =	rddreg [dreg:$0x0];
	s2 =	stileid.u32  }
0x128: {  	s1 =	rddreg [dreg:$0x1];
	p0 =	sne.s32 s2, $0x0  }
0x129: {  	s3 =	rddreg [dreg:$0x2];
	[bflag:$0x3] =	sbarrier.arrive $0xFFFF;
	s2 =	simm.s32 @!p0 $0x1C09  }
0x12a: {  	[timem:s3], [sflag:s2] =	dma.local @!p0 [hbm:s0], s1  }
0x12b: {  	s0 =	simm.s32 @!p0 $0x9  }
0x12c: {  	_ =	swait.ge @!p0 [sflag:s0], s1  }
0x12d: {  	s1 =	ssub.s32 @!p0 $0x0, s1;
	[sflag:s0] =	ssyncset.done @!p0 $0x0  }
0x12e: {  	[sflag:s0] =	ssyncadd.s32 @!p0 s1  }
0x12f: {  	[bflag:$0x3] =	sbarrier.arrive $0xFFFF  }
0x130: {  	_ =	shalt  }

</sc_bundles>
